<compile_context>
chip_gen: v7x
topology: tpu7x:2x2x1
jax: 0.10.2.dev20260603
libtpu: 0.0.44.dev20260713+nightly
codegen_flags: <defaults>
</compile_context>

<pallas_src>
import functools

import jax
import jax.numpy as jnp
from jax import lax
from jax.experimental import pallas as pl
from jax.experimental.pallas import tpu as pltpu
from jax.experimental.pallas import tpu_sc as plsc


def kernel(x, index, dim_size):
    E, D = x.shape
    N = int(dim_size) if isinstance(dim_size, int) else 10000

    NC, NS = 2, 16
    NW = NC * NS
    EP = E // NW
    C = 80
    NB = 4
    NCH = EP // C
    ROUNDS = (NCH - 1) // NB
    assert ROUNDS * NB + 1 == NCH
    NPAD = ((N + NS * 8 - 1) // (NS * 8)) * (NS * 8)
    RPT = NPAD // NS

    idx2 = index.astype(jnp.int32)

    mesh = plsc.VectorSubcoreMesh(
        core_axis_name="c", subcore_axis_name="s", num_cores=NC, num_subcores=NS
    )

    @functools.partial(
        pl.kernel,
        mesh=mesh,
        out_type=jax.ShapeDtypeStruct((NC, NPAD, D), jnp.float32),
        scratch_types=[
            pltpu.VMEM((C, D), jnp.float32),
            pltpu.VMEM((C, D), jnp.float32),
            pltpu.VMEM((C, D), jnp.float32),
            pltpu.VMEM((C, D), jnp.float32),
            pltpu.VMEM((C,), jnp.int32),
            pltpu.VMEM((C,), jnp.int32),
            pltpu.VMEM((C,), jnp.int32),
            pltpu.VMEM((C,), jnp.int32),
            pltpu.VMEM_SHARED((NPAD, D), jnp.float32),
            pltpu.SemaphoreType.DMA,
            pltpu.SemaphoreType.DMA,
            pltpu.SemaphoreType.DMA,
            pltpu.SemaphoreType.DMA,
            pltpu.SemaphoreType.DMA,
            pltpu.SemaphoreType.DMA,
            pltpu.SemaphoreType.DMA,
            pltpu.SemaphoreType.DMA,
        ],
    )
    def seg_scatter(
        x_hbm, idx_hbm, part_hbm,
        xbuf0, xbuf1, xbuf2, xbuf3, ibuf0, ibuf1, ibuf2, ibuf3,
        acc, lsem0, lsem1, lsem2, lsem3, ssem0, ssem1, ssem2, ssem3,
    ):
        c = lax.axis_index("c")
        s = lax.axis_index("s")
        w = c * NS + s
        base = w * EP

        xb = (xbuf0, xbuf1, xbuf2, xbuf3)
        ib = (ibuf0, ibuf1, ibuf2, ibuf3)
        ls = (lsem0, lsem1, lsem2, lsem3)
        ss = (ssem0, ssem1, ssem2, ssem3)

        def start_load(g, b):
            pltpu.async_copy(x_hbm.at[pl.ds(base + g * C, C)], xb[b], ls[b])
            pltpu.async_copy(idx_hbm.at[pl.ds(base + g * C, C)], ib[b], ls[b])

        def wait_load(b):
            pltpu.make_async_copy(x_hbm.at[pl.ds(0, C)], xb[b], ls[b]).wait()
            pltpu.make_async_copy(idx_hbm.at[pl.ds(0, C)], ib[b], ls[b]).wait()

        def start_scatter(b):
            pltpu.async_copy(xb[b], acc.at[ib[b]], ss[b], add=True)

        def wait_scatter(b):
            pltpu.make_async_copy(xb[b], acc.at[ib[b]], ss[b]).wait()

        zrow = jnp.zeros((16,), jnp.float32)

        start_load(0, 0)
        start_load(1, 1)
        start_load(2, 2)

        def zstore(r, carry):
            for cg in range(D // 16):
                xbuf3[r, pl.ds(cg * 16, 16)] = zrow
            return carry

        lax.fori_loop(0, C, zstore, 0, unroll=2)
        for r0 in range(0, RPT, C):
            rl = min(C, RPT - r0)
            pltpu.sync_copy(
                xbuf3.at[pl.ds(0, rl)], acc.at[pl.ds(s * RPT + r0, rl)]
            )
        plsc.subcore_barrier()

        def round_body(i, carry):
            for b in range(NB):
                g = i * NB + b
                pb = (b - 1) % NB

                @pl.when(g >= 1)
                def _():
                    wait_scatter(pb)

                @pl.when(g + NB - 1 < NCH)
                def _():
                    start_load(g + NB - 1, pb)

                wait_load(b)
                start_scatter(b)

            return carry

        lax.fori_loop(0, ROUNDS, round_body, 0)

        wait_scatter(NB - 1)
        wait_load(0)
        start_scatter(0)
        wait_scatter(0)

        plsc.subcore_barrier()
        pltpu.sync_copy(
            acc.at[pl.ds(s * RPT, RPT)],
            part_hbm.at[c].at[pl.ds(s * RPT, RPT)],
        )

    parts = seg_scatter(x, idx2)

    RB = 1000

    def merge_body(p_ref, o_ref):
        o_ref[...] = p_ref[0] + p_ref[1]

    out = pl.pallas_call(
        merge_body,
        grid=(N // RB,),
        in_specs=[pl.BlockSpec((NC, RB, D), lambda i: (0, i, 0))],
        out_specs=pl.BlockSpec((RB, D), lambda i: (i, 0)),
        out_shape=jax.ShapeDtypeStruct((N, D), jnp.float32),
    )(parts)
    return out

# --- scband reference (transcript-rebuilt; emitter-appended) ---
"""Pipeline reference for scband-aggregator-77335181132038 (READ-ONLY COPY).

The authoritative reference and input builder live on the scoring server;
editing this copy changes nothing except your own understanding.
"""

import jax, jax.numpy as jnp
import numpy as np

N_EDGES = 320000
N_NODES = 10000
D_FEAT = 128

def setup_inputs(seed: int = 0) -> dict:
    key = jax.random.key(seed)
    kx, ki = jax.random.split(key)
    x = jax.random.normal(kx, (N_EDGES, D_FEAT), dtype=jnp.float32)
    index = jnp.sort(jax.random.randint(ki, (N_EDGES,), 0, N_NODES, dtype=jnp.int64))
    return {"x": x, "index": index, "dim_size": N_NODES}

def reference(x, index, dim_size):
    # Aggregator.reduce with reduce='sum': out = zeros([dim_size, d]).index_add_(0, index, x)
    dim_size = jnp.asarray(dim_size, dtype=index.dtype)
    index = index + (dim_size - dim_size)
    out = jax.ops.segment_sum(x, index, num_segments=N_NODES)
    return out

if __name__ == "__main__":
    import jax
    _d = setup_inputs()
    print(jax.jit(kernel)(*tuple(_d.values())))

</pallas_src>

<mosaic_0001>
#map = affine_map<(d0, d1) -> (0, 0)>
#map1 = affine_map<(d0, d1) -> (0)>
#map2 = affine_map<(d0, d1) -> (0, 0, 0)>
module attributes {stable_mosaic.version = 14 : i64} {
  func.func @seg_scatter(%arg0: i32, %arg1: i32, %arg2: memref<320000x128xf32, #tpu.memory_space<hbm>>, %arg3: memref<320000xi32, #tpu.memory_space<hbm>>, %arg4: memref<2x10112x128xf32, #tpu.memory_space<hbm>>, %arg5: memref<80x128xf32, #tpu.memory_space<vmem>>, %arg6: memref<80x128xf32, #tpu.memory_space<vmem>>, %arg7: memref<80x128xf32, #tpu.memory_space<vmem>>, %arg8: memref<80x128xf32, #tpu.memory_space<vmem>>, %arg9: memref<80xi32, #tpu.memory_space<vmem>>, %arg10: memref<80xi32, #tpu.memory_space<vmem>>, %arg11: memref<80xi32, #tpu.memory_space<vmem>>, %arg12: memref<80xi32, #tpu.memory_space<vmem>>, %arg13: memref<10112x128xf32, #tpu.memory_space<vmem_shared>>, %arg14: memref<!tpu.dma_semaphore, #tpu.memory_space<semaphore_mem>>, %arg15: memref<!tpu.dma_semaphore, #tpu.memory_space<semaphore_mem>>, %arg16: memref<!tpu.dma_semaphore, #tpu.memory_space<semaphore_mem>>, %arg17: memref<!tpu.dma_semaphore, #tpu.memory_space<semaphore_mem>>, %arg18: memref<!tpu.dma_semaphore, #tpu.memory_space<semaphore_mem>>, %arg19: memref<!tpu.dma_semaphore, #tpu.memory_space<semaphore_mem>>, %arg20: memref<!tpu.dma_semaphore, #tpu.memory_space<semaphore_mem>>, %arg21: memref<!tpu.dma_semaphore, #tpu.memory_space<semaphore_mem>>) attributes {dimension_semantics = [#tpu.dimension_semantics<core_parallel>, #tpu.dimension_semantics<subcore_parallel>], iteration_bounds = array<i64: 2, 16>, scalar_prefetch = 0 : i64, scratch_operands = 17 : i64, tpu.core_type = #tpu.core_type<sc_vector_subcore>, window_params = [{transform_indices = #map}, {transform_indices = #map1}, {transform_indices = #map2}]} {
    %mul3A = arith.constant 16 : i32
    %mul3A_0 = arith.muli %arg0, %mul3A : i32
    %add3A = arith.addi %mul3A_0, %arg1 : i32
    %mul3A_1 = arith.constant 10000 : i32
    %mul3A_2 = arith.muli %add3A, %mul3A_1 : i32
    %broadcast_in_dim3A = arith.constant 0.000000e+00 : f32
    %broadcast_in_dim3A_3 = vector.broadcast %broadcast_in_dim3A : f32 to vector<16xf32>
    %add3A_4 = arith.constant 0 : i32
    %add3A_5 = arith.addi %mul3A_2, %add3A_4 : i32
    %dma_start3A = arith.constant 0 : i32
    %dma_start3A_6 = tpu.memref_slice %arg2[%add3A_5, %dma_start3A] : memref<320000x128xf32, #tpu.memory_space<hbm>> -> memref<80x128xf32, #tpu.memory_space<hbm>>
    %dma_start3A_7 = arith.constant 0 : i32
    %dma_start3A_8 = tpu.memref_slice %arg2[%add3A_5, %dma_start3A_7] : memref<320000x128xf32, #tpu.memory_space<hbm>> -> memref<80x128xf32, #tpu.memory_space<hbm>>
    tpu.enqueue_dma source(%dma_start3A_8 : memref<80x128xf32, #tpu.memory_space<hbm>>) target(%arg5 : memref<80x128xf32, #tpu.memory_space<vmem>>) target_semaphore(%arg14 : memref<!tpu.dma_semaphore, #tpu.memory_space<semaphore_mem>>)
    %add3A_9 = arith.constant 0 : i32
    %add3A_10 = arith.addi %mul3A_2, %add3A_9 : i32
    %dma_start3A_11 = tpu.memref_slice %arg3[%add3A_10] : memref<320000xi32, #tpu.memory_space<hbm>> -> memref<80xi32, #tpu.memory_space<hbm>>
    %dma_start3A_12 = tpu.memref_slice %arg3[%add3A_10] : memref<320000xi32, #tpu.memory_space<hbm>> -> memref<80xi32, #tpu.memory_space<hbm>>
    tpu.enqueue_dma source(%dma_start3A_12 : memref<80xi32, #tpu.memory_space<hbm>>) target(%arg9 : memref<80xi32, #tpu.memory_space<vmem>>) target_semaphore(%arg14 : memref<!tpu.dma_semaphore, #tpu.memory_space<semaphore_mem>>)
    %add3A_13 = arith.constant 80 : i32
    %add3A_14 = arith.addi %mul3A_2, %add3A_13 : i32
    %dma_start3A_15 = arith.constant 0 : i32
    %dma_start3A_16 = tpu.memref_slice %arg2[%add3A_14, %dma_start3A_15] : memref<320000x128xf32, #tpu.memory_space<hbm>> -> memref<80x128xf32, #tpu.memory_space<hbm>>
    %dma_start3A_17 = arith.constant 0 : i32
    %dma_start3A_18 = tpu.memref_slice %arg2[%add3A_14, %dma_start3A_17] : memref<320000x128xf32, #tpu.memory_space<hbm>> -> memref<80x128xf32, #tpu.memory_space<hbm>>
    tpu.enqueue_dma source(%dma_start3A_18 : memref<80x128xf32, #tpu.memory_space<hbm>>) target(%arg6 : memref<80x128xf32, #tpu.memory_space<vmem>>) target_semaphore(%arg15 : memref<!tpu.dma_semaphore, #tpu.memory_space<semaphore_mem>>)
    %add3A_19 = arith.constant 80 : i32
    %add3A_20 = arith.addi %mul3A_2, %add3A_19 : i32
    %dma_start3A_21 = tpu.memref_slice %arg3[%add3A_20] : memref<320000xi32, #tpu.memory_space<hbm>> -> memref<80xi32, #tpu.memory_space<hbm>>
    %dma_start3A_22 = tpu.memref_slice %arg3[%add3A_20] : memref<320000xi32, #tpu.memory_space<hbm>> -> memref<80xi32, #tpu.memory_space<hbm>>
    tpu.enqueue_dma source(%dma_start3A_22 : memref<80xi32, #tpu.memory_space<hbm>>) target(%arg10 : memref<80xi32, #tpu.memory_space<vmem>>) target_semaphore(%arg15 : memref<!tpu.dma_semaphore, #tpu.memory_space<semaphore_mem>>)
    %add3A_23 = arith.constant 160 : i32
    %add3A_24 = arith.addi %mul3A_2, %add3A_23 : i32
    %dma_start3A_25 = arith.constant 0 : i32
    %dma_start3A_26 = tpu.memref_slice %arg2[%add3A_24, %dma_start3A_25] : memref<320000x128xf32, #tpu.memory_space<hbm>> -> memref<80x128xf32, #tpu.memory_space<hbm>>
    %dma_start3A_27 = arith.constant 0 : i32
    %dma_start3A_28 = tpu.memref_slice %arg2[%add3A_24, %dma_start3A_27] : memref<320000x128xf32, #tpu.memory_space<hbm>> -> memref<80x128xf32, #tpu.memory_space<hbm>>
    tpu.enqueue_dma source(%dma_start3A_28 : memref<80x128xf32, #tpu.memory_space<hbm>>) target(%arg7 : memref<80x128xf32, #tpu.memory_space<vmem>>) target_semaphore(%arg16 : memref<!tpu.dma_semaphore, #tpu.memory_space<semaphore_mem>>)
    %add3A_29 = arith.constant 160 : i32
    %add3A_30 = arith.addi %mul3A_2, %add3A_29 : i32
    %dma_start3A_31 = tpu.memref_slice %arg3[%add3A_30] : memref<320000xi32, #tpu.memory_space<hbm>> -> memref<80xi32, #tpu.memory_space<hbm>>
    %dma_start3A_32 = tpu.memref_slice %arg3[%add3A_30] : memref<320000xi32, #tpu.memory_space<hbm>> -> memref<80xi32, #tpu.memory_space<hbm>>
    tpu.enqueue_dma source(%dma_start3A_32 : memref<80xi32, #tpu.memory_space<hbm>>) target(%arg11 : memref<80xi32, #tpu.memory_space<vmem>>) target_semaphore(%arg16 : memref<!tpu.dma_semaphore, #tpu.memory_space<semaphore_mem>>)
    %scan3A = arith.constant 0 : i32
    %scan3A_33 = arith.constant 0 : i32
    %scan3A_34 = arith.constant 80 : i32
    %scan3A_35 = arith.addi %scan3A_33, %scan3A_34 : i32
    %scan3A_36 = arith.constant 2 : i32
    scf.for %scan3A_99 = %scan3A_33 to %scan3A_35 step %scan3A_36  : i32 {
      %swap3A = arith.index_cast %scan3A_99 : i32 to index
      %swap3A_100 = arith.constant 0 : index
      %swap3A_101 = tpu.vector_load %arg8[%swap3A, %swap3A_100] {strides = array<i32>} : memref<80x128xf32, #tpu.memory_space<vmem>>, vector<1x16xf32>,
      %swap3A_102 = vector.shape_cast %swap3A_101 : vector<1x16xf32> to vector<16xf32>
      %swap3A_103 = vector.shape_cast %broadcast_in_dim3A_3 : vector<16xf32> to vector<1x16xf32>
      tpu.vector_store %arg8[%swap3A, %swap3A_100], %swap3A_103 {strides = array<i32>} : memref<80x128xf32, #tpu.memory_space<vmem>>, vector<1x16xf32>,
      %swap3A_104 = arith.index_cast %scan3A_99 : i32 to index
      %swap3A_105 = arith.constant 16 : index
      %swap3A_106 = tpu.vector_load %arg8[%swap3A_104, %swap3A_105] {strides = array<i32>} : memref<80x128xf32, #tpu.memory_space<vmem>>, vector<1x16xf32>,
      %swap3A_107 = vector.shape_cast %swap3A_106 : vector<1x16xf32> to vector<16xf32>
      %swap3A_108 = vector.shape_cast %broadcast_in_dim3A_3 : vector<16xf32> to vector<1x16xf32>
      tpu.vector_store %arg8[%swap3A_104, %swap3A_105], %swap3A_108 {strides = array<i32>} : memref<80x128xf32, #tpu.memory_space<vmem>>, vector<1x16xf32>,
      %swap3A_109 = arith.index_cast %scan3A_99 : i32 to index
      %swap3A_110 = arith.constant 32 : index
      %swap3A_111 = tpu.vector_load %arg8[%swap3A_109, %swap3A_110] {strides = array<i32>} : memref<80x128xf32, #tpu.memory_space<vmem>>, vector<1x16xf32>,
      %swap3A_112 = vector.shape_cast %swap3A_111 : vector<1x16xf32> to vector<16xf32>
      %swap3A_113 = vector.shape_cast %broadcast_in_dim3A_3 : vector<16xf32> to vector<1x16xf32>
      tpu.vector_store %arg8[%swap3A_109, %swap3A_110], %swap3A_113 {strides = array<i32>} : memref<80x128xf32, #tpu.memory_space<vmem>>, vector<1x16xf32>,
      %swap3A_114 = arith.index_cast %scan3A_99 : i32 to index
      %swap3A_115 = arith.constant 48 : index
      %swap3A_116 = tpu.vector_load %arg8[%swap3A_114, %swap3A_115] {strides = array<i32>} : memref<80x128xf32, #tpu.memory_space<vmem>>, vector<1x16xf32>,
      %swap3A_117 = vector.shape_cast %swap3A_116 : vector<1x16xf32> to vector<16xf32>
      %swap3A_118 = vector.shape_cast %broadcast_in_dim3A_3 : vector<16xf32> to vector<1x16xf32>
      tpu.vector_store %arg8[%swap3A_114, %swap3A_115], %swap3A_118 {strides = array<i32>} : memref<80x128xf32, #tpu.memory_space<vmem>>, vector<1x16xf32>,
      %swap3A_119 = arith.index_cast %scan3A_99 : i32 to index
      %swap3A_120 = arith.constant 64 : index
      %swap3A_121 = tpu.vector_load %arg8[%swap3A_119, %swap3A_120] {strides = array<i32>} : memref<80x128xf32, #tpu.memory_space<vmem>>, vector<1x16xf32>,
      %swap3A_122 = vector.shape_cast %swap3A_121 : vector<1x16xf32> to vector<16xf32>
      %swap3A_123 = vector.shape_cast %broadcast_in_dim3A_3 : vector<16xf32> to vector<1x16xf32>
      tpu.vector_store %arg8[%swap3A_119, %swap3A_120], %swap3A_123 {strides = array<i32>} : memref<80x128xf32, #tpu.memory_space<vmem>>, vector<1x16xf32>,
      %swap3A_124 = arith.index_cast %scan3A_99 : i32 to index
      %swap3A_125 = arith.constant 80 : index
      %swap3A_126 = tpu.vector_load %arg8[%swap3A_124, %swap3A_125] {strides = array<i32>} : memref<80x128xf32, #tpu.memory_space<vmem>>, vector<1x16xf32>,
      %swap3A_127 = vector.shape_cast %swap3A_126 : vector<1x16xf32> to vector<16xf32>
      %swap3A_128 = vector.shape_cast %broadcast_in_dim3A_3 : vector<16xf32> to vector<1x16xf32>
      tpu.vector_store %arg8[%swap3A_124, %swap3A_125], %swap3A_128 {strides = array<i32>} : memref<80x128xf32, #tpu.memory_space<vmem>>, vector<1x16xf32>,
      %swap3A_129 = arith.index_cast %scan3A_99 : i32 to index
      %swap3A_130 = arith.constant 96 : index
      %swap3A_131 = tpu.vector_load %arg8[%swap3A_129, %swap3A_130] {strides = array<i32>} : memref<80x128xf32, #tpu.memory_space<vmem>>, vector<1x16xf32>,
      %swap3A_132 = vector.shape_cast %swap3A_131 : vector<1x16xf32> to vector<16xf32>
      %swap3A_133 = vector.shape_cast %broadcast_in_dim3A_3 : vector<16xf32> to vector<1x16xf32>
      tpu.vector_store %arg8[%swap3A_129, %swap3A_130], %swap3A_133 {strides = array<i32>} : memref<80x128xf32, #tpu.memory_space<vmem>>, vector<1x16xf32>,
      %swap3A_134 = arith.index_cast %scan3A_99 : i32 to index
      %swap3A_135 = arith.constant 112 : index
      %swap3A_136 = tpu.vector_load %arg8[%swap3A_134, %swap3A_135] {strides = array<i32>} : memref<80x128xf32, #tpu.memory_space<vmem>>, vector<1x16xf32>,
      %swap3A_137 = vector.shape_cast %swap3A_136 : vector<1x16xf32> to vector<16xf32>
      %swap3A_138 = vector.shape_cast %broadcast_in_dim3A_3 : vector<16xf32> to vector<1x16xf32>
      tpu.vector_store %arg8[%swap3A_134, %swap3A_135], %swap3A_138 {strides = array<i32>} : memref<80x128xf32, #tpu.memory_space<vmem>>, vector<1x16xf32>,
      %scan3A_139 = arith.constant 1 : i32
      %scan3A_140 = arith.addi %scan3A_99, %scan3A_139 : i32
      %swap3A_141 = arith.index_cast %scan3A_140 : i32 to index
      %swap3A_142 = arith.constant 0 : index
      %swap3A_143 = tpu.vector_load %arg8[%swap3A_141, %swap3A_142] {strides = array<i32>} : memref<80x128xf32, #tpu.memory_space<vmem>>, vector<1x16xf32>,
      %swap3A_144 = vector.shape_cast %swap3A_143 : vector<1x16xf32> to vector<16xf32>
      %swap3A_145 = vector.shape_cast %broadcast_in_dim3A_3 : vector<16xf32> to vector<1x16xf32>
      tpu.vector_store %arg8[%swap3A_141, %swap3A_142], %swap3A_145 {strides = array<i32>} : memref<80x128xf32, #tpu.memory_space<vmem>>, vector<1x16xf32>,
      %swap3A_146 = arith.index_cast %scan3A_140 : i32 to index
      %swap3A_147 = arith.constant 16 : index
      %swap3A_148 = tpu.vector_load %arg8[%swap3A_146, %swap3A_147] {strides = array<i32>} : memref<80x128xf32, #tpu.memory_space<vmem>>, vector<1x16xf32>,
      %swap3A_149 = vector.shape_cast %swap3A_148 : vector<1x16xf32> to vector<16xf32>
      %swap3A_150 = vector.shape_cast %broadcast_in_dim3A_3 : vector<16xf32> to vector<1x16xf32>
      tpu.vector_store %arg8[%swap3A_146, %swap3A_147], %swap3A_150 {strides = array<i32>} : memref<80x128xf32, #tpu.memory_space<vmem>>, vector<1x16xf32>,
      %swap3A_151 = arith.index_cast %scan3A_140 : i32 to index
      %swap3A_152 = arith.constant 32 : index
      %swap3A_153 = tpu.vector_load %arg8[%swap3A_151, %swap3A_152] {strides = array<i32>} : memref<80x128xf32, #tpu.memory_space<vmem>>, vector<1x16xf32>,
      %swap3A_154 = vector.shape_cast %swap3A_153 : vector<1x16xf32> to vector<16xf32>
      %swap3A_155 = vector.shape_cast %broadcast_in_dim3A_3 : vector<16xf32> to vector<1x16xf32>
      tpu.vector_store %arg8[%swap3A_151, %swap3A_152], %swap3A_155 {strides = array<i32>} : memref<80x128xf32, #tpu.memory_space<vmem>>, vector<1x16xf32>,
      %swap3A_156 = arith.index_cast %scan3A_140 : i32 to index
      %swap3A_157 = arith.constant 48 : index
      %swap3A_158 = tpu.vector_load %arg8[%swap3A_156, %swap3A_157] {strides = array<i32>} : memref<80x128xf32, #tpu.memory_space<vmem>>, vector<1x16xf32>,
      %swap3A_159 = vector.shape_cast %swap3A_158 : vector<1x16xf32> to vector<16xf32>
      %swap3A_160 = vector.shape_cast %broadcast_in_dim3A_3 : vector<16xf32> to vector<1x16xf32>
      tpu.vector_store %arg8[%swap3A_156, %swap3A_157], %swap3A_160 {strides = array<i32>} : memref<80x128xf32, #tpu.memory_space<vmem>>, vector<1x16xf32>,
      %swap3A_161 = arith.index_cast %scan3A_140 : i32 to index
      %swap3A_162 = arith.constant 64 : index
      %swap3A_163 = tpu.vector_load %arg8[%swap3A_161, %swap3A_162] {strides = array<i32>} : memref<80x128xf32, #tpu.memory_space<vmem>>, vector<1x16xf32>,
      %swap3A_164 = vector.shape_cast %swap3A_163 : vector<1x16xf32> to vector<16xf32>
      %swap3A_165 = vector.shape_cast %broadcast_in_dim3A_3 : vector<16xf32> to vector<1x16xf32>
      tpu.vector_store %arg8[%swap3A_161, %swap3A_162], %swap3A_165 {strides = array<i32>} : memref<80x128xf32, #tpu.memory_space<vmem>>, vector<1x16xf32>,
      %swap3A_166 = arith.index_cast %scan3A_140 : i32 to index
      %swap3A_167 = arith.constant 80 : index
      %swap3A_168 = tpu.vector_load %arg8[%swap3A_166, %swap3A_167] {strides = array<i32>} : memref<80x128xf32, #tpu.memory_space<vmem>>, vector<1x16xf32>,
      %swap3A_169 = vector.shape_cast %swap3A_168 : vector<1x16xf32> to vector<16xf32>
      %swap3A_170 = vector.shape_cast %broadcast_in_dim3A_3 : vector<16xf32> to vector<1x16xf32>
      tpu.vector_store %arg8[%swap3A_166, %swap3A_167], %swap3A_170 {strides = array<i32>} : memref<80x128xf32, #tpu.memory_space<vmem>>, vector<1x16xf32>,
      %swap3A_171 = arith.index_cast %scan3A_140 : i32 to index
      %swap3A_172 = arith.constant 96 : index
      %swap3A_173 = tpu.vector_load %arg8[%swap3A_171, %swap3A_172] {strides = array<i32>} : memref<80x128xf32, #tpu.memory_space<vmem>>, vector<1x16xf32>,
      %swap3A_174 = vector.shape_cast %swap3A_173 : vector<1x16xf32> to vector<16xf32>
      %swap3A_175 = vector.shape_cast %broadcast_in_dim3A_3 : vector<16xf32> to vector<1x16xf32>
      tpu.vector_store %arg8[%swap3A_171, %swap3A_172], %swap3A_175 {strides = array<i32>} : memref<80x128xf32, #tpu.memory_space<vmem>>, vector<1x16xf32>,
      %swap3A_176 = arith.index_cast %scan3A_140 : i32 to index
      %swap3A_177 = arith.constant 112 : index
      %swap3A_178 = tpu.vector_load %arg8[%swap3A_176, %swap3A_177] {strides = array<i32>} : memref<80x128xf32, #tpu.memory_space<vmem>>, vector<1x16xf32>,
      %swap3A_179 = vector.shape_cast %swap3A_178 : vector<1x16xf32> to vector<16xf32>
      %swap3A_180 = vector.shape_cast %broadcast_in_dim3A_3 : vector<16xf32> to vector<1x16xf32>
      tpu.vector_store %arg8[%swap3A_176, %swap3A_177], %swap3A_180 {strides = array<i32>} : memref<80x128xf32, #tpu.memory_space<vmem>>, vector<1x16xf32>,
    }
    %scan3A_37 = arith.constant 80 : i32
    %mul3A_38 = arith.constant 632 : i32
    %mul3A_39 = arith.muli %arg1, %mul3A_38 : i32
    %add3A_40 = arith.constant 0 : i32
    %add3A_41 = arith.addi %mul3A_39, %add3A_40 : i32
    "tpu.region"() ({
      %run_scoped3A = tpu.sem_alloc : memref<!tpu.dma_semaphore, #tpu.memory_space<semaphore_mem>>
      %dma_start3A_99 = arith.constant 0 : i32
      %dma_start3A_100 = arith.constant 0 : i32
      %dma_start3A_101 = tpu.memref_slice %arg8[%dma_start3A_99, %dma_start3A_100] : memref<80x128xf32, #tpu.memory_space<vmem>> -> memref<80x128xf32, #tpu.memory_space<vmem>>
      %dma_start3A_102 = arith.constant 0 : i32
      %dma_start3A_103 = tpu.memref_slice %arg13[%add3A_41, %dma_start3A_102] : memref<10112x128xf32, #tpu.memory_space<vmem_shared>> -> memref<80x128xf32, #tpu.memory_space<vmem_shared>>
      %dma_start3A_104 = arith.constant 0 : i32
      %dma_start3A_105 = tpu.memref_slice %arg13[%add3A_41, %dma_start3A_104] : memref<10112x128xf32, #tpu.memory_space<vmem_shared>> -> memref<80x128xf32, #tpu.memory_space<vmem_shared>>
      %dma_start3A_106 = arith.constant 0 : i32
      %dma_start3A_107 = arith.constant 0 : i32
      %dma_start3A_108 = tpu.memref_slice %arg8[%dma_start3A_106, %dma_start3A_107] : memref<80x128xf32, #tpu.memory_space<vmem>> -> memref<80x128xf32, #tpu.memory_space<vmem>>
      tpu.enqueue_dma source(%dma_start3A_108 : memref<80x128xf32, #tpu.memory_space<vmem>>) target(%dma_start3A_105 : memref<80x128xf32, #tpu.memory_space<vmem_shared>>) target_semaphore(%run_scoped3A : memref<!tpu.dma_semaphore, #tpu.memory_space<semaphore_mem>>)
      %dma_wait3A_109 = arith.constant 0 : i32
      %dma_wait3A_110 = arith.constant 0 : i32
      %dma_wait3A_111 = tpu.memref_slice %arg8[%dma_wait3A_109, %dma_wait3A_110] : memref<80x128xf32, #tpu.memory_space<vmem>> -> memref<80x128xf32, #tpu.memory_space<vmem>>
      %dma_wait3A_112 = arith.constant 0 : i32
      %dma_wait3A_113 = tpu.memref_slice %arg13[%add3A_41, %dma_wait3A_112] : memref<10112x128xf32, #tpu.memory_space<vmem_shared>> -> memref<80x128xf32, #tpu.memory_space<vmem_shared>>
      %dma_wait3A_114 = arith.constant 0 : i32
      %dma_wait3A_115 = tpu.memref_slice %arg13[%add3A_41, %dma_wait3A_114] : memref<10112x128xf32, #tpu.memory_space<vmem_shared>> -> memref<80x128xf32, #tpu.memory_space<vmem_shared>>
      %dma_wait3A_116 = arith.constant 0 : i32
      %dma_wait3A_117 = arith.constant 0 : i32
      %dma_wait3A_118 = tpu.memref_slice %arg8[%dma_wait3A_116, %dma_wait3A_117] : memref<80x128xf32, #tpu.memory_space<vmem>> -> memref<80x128xf32, #tpu.memory_space<vmem>>
      tpu.wait_dma2 semaphore(%run_scoped3A : memref<!tpu.dma_semaphore, #tpu.memory_space<semaphore_mem>>) src(%dma_wait3A_118 : memref<80x128xf32, #tpu.memory_space<vmem>>) dst(%dma_wait3A_115 : memref<80x128xf32, #tpu.memory_space<vmem_shared>>)
      tpu.yield
    }) : () -> ()
    %mul3A_42 = arith.constant 632 : i32
    %mul3A_43 = arith.muli %arg1, %mul3A_42 : i32
    %add3A_44 = arith.constant 80 : i32
    %add3A_45 = arith.addi %mul3A_43, %add3A_44 : i32
    "tpu.region"() ({
      %run_scoped3A = tpu.sem_alloc : memref<!tpu.dma_semaphore, #tpu.memory_space<semaphore_mem>>
      %dma_start3A_99 = arith.constant 0 : i32
      %dma_start3A_100 = arith.constant 0 : i32
      %dma_start3A_101 = tpu.memref_slice %arg8[%dma_start3A_99, %dma_start3A_100] : memref<80x128xf32, #tpu.memory_space<vmem>> -> memref<80x128xf32, #tpu.memory_space<vmem>>
      %dma_start3A_102 = arith.constant 0 : i32
      %dma_start3A_103 = tpu.memref_slice %arg13[%add3A_45, %dma_start3A_102] : memref<10112x128xf32, #tpu.memory_space<vmem_shared>> -> memref<80x128xf32, #tpu.memory_space<vmem_shared>>
      %dma_start3A_104 = arith.constant 0 : i32
      %dma_start3A_105 = tpu.memref_slice %arg13[%add3A_45, %dma_start3A_104] : memref<10112x128xf32, #tpu.memory_space<vmem_shared>> -> memref<80x128xf32, #tpu.memory_space<vmem_shared>>
      %dma_start3A_106 = arith.constant 0 : i32
      %dma_start3A_107 = arith.constant 0 : i32
      %dma_start3A_108 = tpu.memref_slice %arg8[%dma_start3A_106, %dma_start3A_107] : memref<80x128xf32, #tpu.memory_space<vmem>> -> memref<80x128xf32, #tpu.memory_space<vmem>>
      tpu.enqueue_dma source(%dma_start3A_108 : memref<80x128xf32, #tpu.memory_space<vmem>>) target(%dma_start3A_105 : memref<80x128xf32, #tpu.memory_space<vmem_shared>>) target_semaphore(%run_scoped3A : memref<!tpu.dma_semaphore, #tpu.memory_space<semaphore_mem>>)
      %dma_wait3A_109 = arith.constant 0 : i32
      %dma_wait3A_110 = arith.constant 0 : i32
      %dma_wait3A_111 = tpu.memref_slice %arg8[%dma_wait3A_109, %dma_wait3A_110] : memref<80x128xf32, #tpu.memory_space<vmem>> -> memref<80x128xf32, #tpu.memory_space<vmem>>
      %dma_wait3A_112 = arith.constant 0 : i32
      %dma_wait3A_113 = tpu.memref_slice %arg13[%add3A_45, %dma_wait3A_112] : memref<10112x128xf32, #tpu.memory_space<vmem_shared>> -> memref<80x128xf32, #tpu.memory_space<vmem_shared>>
      %dma_wait3A_114 = arith.constant 0 : i32
      %dma_wait3A_115 = tpu.memref_slice %arg13[%add3A_45, %dma_wait3A_114] : memref<10112x128xf32, #tpu.memory_space<vmem_shared>> -> memref<80x128xf32, #tpu.memory_space<vmem_shared>>
      %dma_wait3A_116 = arith.constant 0 : i32
      %dma_wait3A_117 = arith.constant 0 : i32
      %dma_wait3A_118 = tpu.memref_slice %arg8[%dma_wait3A_116, %dma_wait3A_117] : memref<80x128xf32, #tpu.memory_space<vmem>> -> memref<80x128xf32, #tpu.memory_space<vmem>>
      tpu.wait_dma2 semaphore(%run_scoped3A : memref<!tpu.dma_semaphore, #tpu.memory_space<semaphore_mem>>) src(%dma_wait3A_118 : memref<80x128xf32, #tpu.memory_space<vmem>>) dst(%dma_wait3A_115 : memref<80x128xf32, #tpu.memory_space<vmem_shared>>)
      tpu.yield
    }) : () -> ()
    %mul3A_46 = arith.constant 632 : i32
    %mul3A_47 = arith.muli %arg1, %mul3A_46 : i32
    %add3A_48 = arith.constant 160 : i32
    %add3A_49 = arith.addi %mul3A_47, %add3A_48 : i32
    "tpu.region"() ({
      %run_scoped3A = tpu.sem_alloc : memref<!tpu.dma_semaphore, #tpu.memory_space<semaphore_mem>>
      %dma_start3A_99 = arith.constant 0 : i32
      %dma_start3A_100 = arith.constant 0 : i32
      %dma_start3A_101 = tpu.memref_slice %arg8[%dma_start3A_99, %dma_start3A_100] : memref<80x128xf32, #tpu.memory_space<vmem>> -> memref<80x128xf32, #tpu.memory_space<vmem>>
      %dma_start3A_102 = arith.constant 0 : i32
      %dma_start3A_103 = tpu.memref_slice %arg13[%add3A_49, %dma_start3A_102] : memref<10112x128xf32, #tpu.memory_space<vmem_shared>> -> memref<80x128xf32, #tpu.memory_space<vmem_shared>>
      %dma_start3A_104 = arith.constant 0 : i32
      %dma_start3A_105 = tpu.memref_slice %arg13[%add3A_49, %dma_start3A_104] : memref<10112x128xf32, #tpu.memory_space<vmem_shared>> -> memref<80x128xf32, #tpu.memory_space<vmem_shared>>
      %dma_start3A_106 = arith.constant 0 : i32
      %dma_start3A_107 = arith.constant 0 : i32
      %dma_start3A_108 = tpu.memref_slice %arg8[%dma_start3A_106, %dma_start3A_107] : memref<80x128xf32, #tpu.memory_space<vmem>> -> memref<80x128xf32, #tpu.memory_space<vmem>>
      tpu.enqueue_dma source(%dma_start3A_108 : memref<80x128xf32, #tpu.memory_space<vmem>>) target(%dma_start3A_105 : memref<80x128xf32, #tpu.memory_space<vmem_shared>>) target_semaphore(%run_scoped3A : memref<!tpu.dma_semaphore, #tpu.memory_space<semaphore_mem>>)
      %dma_wait3A_109 = arith.constant 0 : i32
      %dma_wait3A_110 = arith.constant 0 : i32
      %dma_wait3A_111 = tpu.memref_slice %arg8[%dma_wait3A_109, %dma_wait3A_110] : memref<80x128xf32, #tpu.memory_space<vmem>> -> memref<80x128xf32, #tpu.memory_space<vmem>>
      %dma_wait3A_112 = arith.constant 0 : i32
      %dma_wait3A_113 = tpu.memref_slice %arg13[%add3A_49, %dma_wait3A_112] : memref<10112x128xf32, #tpu.memory_space<vmem_shared>> -> memref<80x128xf32, #tpu.memory_space<vmem_shared>>
      %dma_wait3A_114 = arith.constant 0 : i32
      %dma_wait3A_115 = tpu.memref_slice %arg13[%add3A_49, %dma_wait3A_114] : memref<10112x128xf32, #tpu.memory_space<vmem_shared>> -> memref<80x128xf32, #tpu.memory_space<vmem_shared>>
      %dma_wait3A_116 = arith.constant 0 : i32
      %dma_wait3A_117 = arith.constant 0 : i32
      %dma_wait3A_118 = tpu.memref_slice %arg8[%dma_wait3A_116, %dma_wait3A_117] : memref<80x128xf32, #tpu.memory_space<vmem>> -> memref<80x128xf32, #tpu.memory_space<vmem>>
      tpu.wait_dma2 semaphore(%run_scoped3A : memref<!tpu.dma_semaphore, #tpu.memory_space<semaphore_mem>>) src(%dma_wait3A_118 : memref<80x128xf32, #tpu.memory_space<vmem>>) dst(%dma_wait3A_115 : memref<80x128xf32, #tpu.memory_space<vmem_shared>>)
      tpu.yield
    }) : () -> ()
    %mul3A_50 = arith.constant 632 : i32
    %mul3A_51 = arith.muli %arg1, %mul3A_50 : i32
    %add3A_52 = arith.constant 240 : i32
    %add3A_53 = arith.addi %mul3A_51, %add3A_52 : i32
    "tpu.region"() ({
      %run_scoped3A = tpu.sem_alloc : memref<!tpu.dma_semaphore, #tpu.memory_space<semaphore_mem>>
      %dma_start3A_99 = arith.constant 0 : i32
      %dma_start3A_100 = arith.constant 0 : i32
      %dma_start3A_101 = tpu.memref_slice %arg8[%dma_start3A_99, %dma_start3A_100] : memref<80x128xf32, #tpu.memory_space<vmem>> -> memref<80x128xf32, #tpu.memory_space<vmem>>
      %dma_start3A_102 = arith.constant 0 : i32
      %dma_start3A_103 = tpu.memref_slice %arg13[%add3A_53, %dma_start3A_102] : memref<10112x128xf32, #tpu.memory_space<vmem_shared>> -> memref<80x128xf32, #tpu.memory_space<vmem_shared>>
      %dma_start3A_104 = arith.constant 0 : i32
      %dma_start3A_105 = tpu.memref_slice %arg13[%add3A_53, %dma_start3A_104] : memref<10112x128xf32, #tpu.memory_space<vmem_shared>> -> memref<80x128xf32, #tpu.memory_space<vmem_shared>>
      %dma_start3A_106 = arith.constant 0 : i32
      %dma_start3A_107 = arith.constant 0 : i32
      %dma_start3A_108 = tpu.memref_slice %arg8[%dma_start3A_106, %dma_start3A_107] : memref<80x128xf32, #tpu.memory_space<vmem>> -> memref<80x128xf32, #tpu.memory_space<vmem>>
      tpu.enqueue_dma source(%dma_start3A_108 : memref<80x128xf32, #tpu.memory_space<vmem>>) target(%dma_start3A_105 : memref<80x128xf32, #tpu.memory_space<vmem_shared>>) target_semaphore(%run_scoped3A : memref<!tpu.dma_semaphore, #tpu.memory_space<semaphore_mem>>)
      %dma_wait3A_109 = arith.constant 0 : i32
      %dma_wait3A_110 = arith.constant 0 : i32
      %dma_wait3A_111 = tpu.memref_slice %arg8[%dma_wait3A_109, %dma_wait3A_110] : memref<80x128xf32, #tpu.memory_space<vmem>> -> memref<80x128xf32, #tpu.memory_space<vmem>>
      %dma_wait3A_112 = arith.constant 0 : i32
      %dma_wait3A_113 = tpu.memref_slice %arg13[%add3A_53, %dma_wait3A_112] : memref<10112x128xf32, #tpu.memory_space<vmem_shared>> -> memref<80x128xf32, #tpu.memory_space<vmem_shared>>
      %dma_wait3A_114 = arith.constant 0 : i32
      %dma_wait3A_115 = tpu.memref_slice %arg13[%add3A_53, %dma_wait3A_114] : memref<10112x128xf32, #tpu.memory_space<vmem_shared>> -> memref<80x128xf32, #tpu.memory_space<vmem_shared>>
      %dma_wait3A_116 = arith.constant 0 : i32
      %dma_wait3A_117 = arith.constant 0 : i32
      %dma_wait3A_118 = tpu.memref_slice %arg8[%dma_wait3A_116, %dma_wait3A_117] : memref<80x128xf32, #tpu.memory_space<vmem>> -> memref<80x128xf32, #tpu.memory_space<vmem>>
      tpu.wait_dma2 semaphore(%run_scoped3A : memref<!tpu.dma_semaphore, #tpu.memory_space<semaphore_mem>>) src(%dma_wait3A_118 : memref<80x128xf32, #tpu.memory_space<vmem>>) dst(%dma_wait3A_115 : memref<80x128xf32, #tpu.memory_space<vmem_shared>>)
      tpu.yield
    }) : () -> ()
    %mul3A_54 = arith.constant 632 : i32
    %mul3A_55 = arith.muli %arg1, %mul3A_54 : i32
    %add3A_56 = arith.constant 320 : i32
    %add3A_57 = arith.addi %mul3A_55, %add3A_56 : i32
    "tpu.region"() ({
      %run_scoped3A = tpu.sem_alloc : memref<!tpu.dma_semaphore, #tpu.memory_space<semaphore_mem>>
      %dma_start3A_99 = arith.constant 0 : i32
      %dma_start3A_100 = arith.constant 0 : i32
      %dma_start3A_101 = tpu.memref_slice %arg8[%dma_start3A_99, %dma_start3A_100] : memref<80x128xf32, #tpu.memory_space<vmem>> -> memref<80x128xf32, #tpu.memory_space<vmem>>
      %dma_start3A_102 = arith.constant 0 : i32
      %dma_start3A_103 = tpu.memref_slice %arg13[%add3A_57, %dma_start3A_102] : memref<10112x128xf32, #tpu.memory_space<vmem_shared>> -> memref<80x128xf32, #tpu.memory_space<vmem_shared>>
      %dma_start3A_104 = arith.constant 0 : i32
      %dma_start3A_105 = tpu.memref_slice %arg13[%add3A_57, %dma_start3A_104] : memref<10112x128xf32, #tpu.memory_space<vmem_shared>> -> memref<80x128xf32, #tpu.memory_space<vmem_shared>>
      %dma_start3A_106 = arith.constant 0 : i32
      %dma_start3A_107 = arith.constant 0 : i32
      %dma_start3A_108 = tpu.memref_slice %arg8[%dma_start3A_106, %dma_start3A_107] : memref<80x128xf32, #tpu.memory_space<vmem>> -> memref<80x128xf32, #tpu.memory_space<vmem>>
      tpu.enqueue_dma source(%dma_start3A_108 : memref<80x128xf32, #tpu.memory_space<vmem>>) target(%dma_start3A_105 : memref<80x128xf32, #tpu.memory_space<vmem_shared>>) target_semaphore(%run_scoped3A : memref<!tpu.dma_semaphore, #tpu.memory_space<semaphore_mem>>)
      %dma_wait3A_109 = arith.constant 0 : i32
      %dma_wait3A_110 = arith.constant 0 : i32
      %dma_wait3A_111 = tpu.memref_slice %arg8[%dma_wait3A_109, %dma_wait3A_110] : memref<80x128xf32, #tpu.memory_space<vmem>> -> memref<80x128xf32, #tpu.memory_space<vmem>>
      %dma_wait3A_112 = arith.constant 0 : i32
      %dma_wait3A_113 = tpu.memref_slice %arg13[%add3A_57, %dma_wait3A_112] : memref<10112x128xf32, #tpu.memory_space<vmem_shared>> -> memref<80x128xf32, #tpu.memory_space<vmem_shared>>
      %dma_wait3A_114 = arith.constant 0 : i32
      %dma_wait3A_115 = tpu.memref_slice %arg13[%add3A_57, %dma_wait3A_114] : memref<10112x128xf32, #tpu.memory_space<vmem_shared>> -> memref<80x128xf32, #tpu.memory_space<vmem_shared>>
      %dma_wait3A_116 = arith.constant 0 : i32
      %dma_wait3A_117 = arith.constant 0 : i32
      %dma_wait3A_118 = tpu.memref_slice %arg8[%dma_wait3A_116, %dma_wait3A_117] : memref<80x128xf32, #tpu.memory_space<vmem>> -> memref<80x128xf32, #tpu.memory_space<vmem>>
      tpu.wait_dma2 semaphore(%run_scoped3A : memref<!tpu.dma_semaphore, #tpu.memory_space<semaphore_mem>>) src(%dma_wait3A_118 : memref<80x128xf32, #tpu.memory_space<vmem>>) dst(%dma_wait3A_115 : memref<80x128xf32, #tpu.memory_space<vmem_shared>>)
      tpu.yield
    }) : () -> ()
    %mul3A_58 = arith.constant 632 : i32
    %mul3A_59 = arith.muli %arg1, %mul3A_58 : i32
    %add3A_60 = arith.constant 400 : i32
    %add3A_61 = arith.addi %mul3A_59, %add3A_60 : i32
    "tpu.region"() ({
      %run_scoped3A = tpu.sem_alloc : memref<!tpu.dma_semaphore, #tpu.memory_space<semaphore_mem>>
      %dma_start3A_99 = arith.constant 0 : i32
      %dma_start3A_100 = arith.constant 0 : i32
      %dma_start3A_101 = tpu.memref_slice %arg8[%dma_start3A_99, %dma_start3A_100] : memref<80x128xf32, #tpu.memory_space<vmem>> -> memref<80x128xf32, #tpu.memory_space<vmem>>
      %dma_start3A_102 = arith.constant 0 : i32
      %dma_start3A_103 = tpu.memref_slice %arg13[%add3A_61, %dma_start3A_102] : memref<10112x128xf32, #tpu.memory_space<vmem_shared>> -> memref<80x128xf32, #tpu.memory_space<vmem_shared>>
      %dma_start3A_104 = arith.constant 0 : i32
      %dma_start3A_105 = tpu.memref_slice %arg13[%add3A_61, %dma_start3A_104] : memref<10112x128xf32, #tpu.memory_space<vmem_shared>> -> memref<80x128xf32, #tpu.memory_space<vmem_shared>>
      %dma_start3A_106 = arith.constant 0 : i32
      %dma_start3A_107 = arith.constant 0 : i32
      %dma_start3A_108 = tpu.memref_slice %arg8[%dma_start3A_106, %dma_start3A_107] : memref<80x128xf32, #tpu.memory_space<vmem>> -> memref<80x128xf32, #tpu.memory_space<vmem>>
      tpu.enqueue_dma source(%dma_start3A_108 : memref<80x128xf32, #tpu.memory_space<vmem>>) target(%dma_start3A_105 : memref<80x128xf32, #tpu.memory_space<vmem_shared>>) target_semaphore(%run_scoped3A : memref<!tpu.dma_semaphore, #tpu.memory_space<semaphore_mem>>)
      %dma_wait3A_109 = arith.constant 0 : i32
      %dma_wait3A_110 = arith.constant 0 : i32
      %dma_wait3A_111 = tpu.memref_slice %arg8[%dma_wait3A_109, %dma_wait3A_110] : memref<80x128xf32, #tpu.memory_space<vmem>> -> memref<80x128xf32, #tpu.memory_space<vmem>>
      %dma_wait3A_112 = arith.constant 0 : i32
      %dma_wait3A_113 = tpu.memref_slice %arg13[%add3A_61, %dma_wait3A_112] : memref<10112x128xf32, #tpu.memory_space<vmem_shared>> -> memref<80x128xf32, #tpu.memory_space<vmem_shared>>
      %dma_wait3A_114 = arith.constant 0 : i32
      %dma_wait3A_115 = tpu.memref_slice %arg13[%add3A_61, %dma_wait3A_114] : memref<10112x128xf32, #tpu.memory_space<vmem_shared>> -> memref<80x128xf32, #tpu.memory_space<vmem_shared>>
      %dma_wait3A_116 = arith.constant 0 : i32
      %dma_wait3A_117 = arith.constant 0 : i32
      %dma_wait3A_118 = tpu.memref_slice %arg8[%dma_wait3A_116, %dma_wait3A_117] : memref<80x128xf32, #tpu.memory_space<vmem>> -> memref<80x128xf32, #tpu.memory_space<vmem>>
      tpu.wait_dma2 semaphore(%run_scoped3A : memref<!tpu.dma_semaphore, #tpu.memory_space<semaphore_mem>>) src(%dma_wait3A_118 : memref<80x128xf32, #tpu.memory_space<vmem>>) dst(%dma_wait3A_115 : memref<80x128xf32, #tpu.memory_space<vmem_shared>>)
      tpu.yield
    }) : () -> ()
    %mul3A_62 = arith.constant 632 : i32
    %mul3A_63 = arith.muli %arg1, %mul3A_62 : i32
    %add3A_64 = arith.constant 480 : i32
    %add3A_65 = arith.addi %mul3A_63, %add3A_64 : i32
    "tpu.region"() ({
      %run_scoped3A = tpu.sem_alloc : memref<!tpu.dma_semaphore, #tpu.memory_space<semaphore_mem>>
      %dma_start3A_99 = arith.constant 0 : i32
      %dma_start3A_100 = arith.constant 0 : i32
      %dma_start3A_101 = tpu.memref_slice %arg8[%dma_start3A_99, %dma_start3A_100] : memref<80x128xf32, #tpu.memory_space<vmem>> -> memref<80x128xf32, #tpu.memory_space<vmem>>
      %dma_start3A_102 = arith.constant 0 : i32
      %dma_start3A_103 = tpu.memref_slice %arg13[%add3A_65, %dma_start3A_102] : memref<10112x128xf32, #tpu.memory_space<vmem_shared>> -> memref<80x128xf32, #tpu.memory_space<vmem_shared>>
      %dma_start3A_104 = arith.constant 0 : i32
      %dma_start3A_105 = tpu.memref_slice %arg13[%add3A_65, %dma_start3A_104] : memref<10112x128xf32, #tpu.memory_space<vmem_shared>> -> memref<80x128xf32, #tpu.memory_space<vmem_shared>>
      %dma_start3A_106 = arith.constant 0 : i32
      %dma_start3A_107 = arith.constant 0 : i32
      %dma_start3A_108 = tpu.memref_slice %arg8[%dma_start3A_106, %dma_start3A_107] : memref<80x128xf32, #tpu.memory_space<vmem>> -> memref<80x128xf32, #tpu.memory_space<vmem>>
      tpu.enqueue_dma source(%dma_start3A_108 : memref<80x128xf32, #tpu.memory_space<vmem>>) target(%dma_start3A_105 : memref<80x128xf32, #tpu.memory_space<vmem_shared>>) target_semaphore(%run_scoped3A : memref<!tpu.dma_semaphore, #tpu.memory_space<semaphore_mem>>)
      %dma_wait3A_109 = arith.constant 0 : i32
      %dma_wait3A_110 = arith.constant 0 : i32
      %dma_wait3A_111 = tpu.memref_slice %arg8[%dma_wait3A_109, %dma_wait3A_110] : memref<80x128xf32, #tpu.memory_space<vmem>> -> memref<80x128xf32, #tpu.memory_space<vmem>>
      %dma_wait3A_112 = arith.constant 0 : i32
      %dma_wait3A_113 = tpu.memref_slice %arg13[%add3A_65, %dma_wait3A_112] : memref<10112x128xf32, #tpu.memory_space<vmem_shared>> -> memref<80x128xf32, #tpu.memory_space<vmem_shared>>
      %dma_wait3A_114 = arith.constant 0 : i32
      %dma_wait3A_115 = tpu.memref_slice %arg13[%add3A_65, %dma_wait3A_114] : memref<10112x128xf32, #tpu.memory_space<vmem_shared>> -> memref<80x128xf32, #tpu.memory_space<vmem_shared>>
      %dma_wait3A_116 = arith.constant 0 : i32
      %dma_wait3A_117 = arith.constant 0 : i32
      %dma_wait3A_118 = tpu.memref_slice %arg8[%dma_wait3A_116, %dma_wait3A_117] : memref<80x128xf32, #tpu.memory_space<vmem>> -> memref<80x128xf32, #tpu.memory_space<vmem>>
      tpu.wait_dma2 semaphore(%run_scoped3A : memref<!tpu.dma_semaphore, #tpu.memory_space<semaphore_mem>>) src(%dma_wait3A_118 : memref<80x128xf32, #tpu.memory_space<vmem>>) dst(%dma_wait3A_115 : memref<80x128xf32, #tpu.memory_space<vmem_shared>>)
      tpu.yield
    }) : () -> ()
    %mul3A_66 = arith.constant 632 : i32
    %mul3A_67 = arith.muli %arg1, %mul3A_66 : i32
    %add3A_68 = arith.constant 560 : i32
    %add3A_69 = arith.addi %mul3A_67, %add3A_68 : i32
    "tpu.region"() ({
      %run_scoped3A = tpu.sem_alloc : memref<!tpu.dma_semaphore, #tpu.memory_space<semaphore_mem>>
      %dma_start3A_99 = arith.constant 0 : i32
      %dma_start3A_100 = arith.constant 0 : i32
      %dma_start3A_101 = tpu.memref_slice %arg8[%dma_start3A_99, %dma_start3A_100] : memref<80x128xf32, #tpu.memory_space<vmem>> -> memref<72x128xf32, #tpu.memory_space<vmem>>
      %dma_start3A_102 = arith.constant 0 : i32
      %dma_start3A_103 = tpu.memref_slice %arg13[%add3A_69, %dma_start3A_102] : memref<10112x128xf32, #tpu.memory_space<vmem_shared>> -> memref<72x128xf32, #tpu.memory_space<vmem_shared>>
      %dma_start3A_104 = arith.constant 0 : i32
      %dma_start3A_105 = tpu.memref_slice %arg13[%add3A_69, %dma_start3A_104] : memref<10112x128xf32, #tpu.memory_space<vmem_shared>> -> memref<72x128xf32, #tpu.memory_space<vmem_shared>>
      %dma_start3A_106 = arith.constant 0 : i32
      %dma_start3A_107 = arith.constant 0 : i32
      %dma_start3A_108 = tpu.memref_slice %arg8[%dma_start3A_106, %dma_start3A_107] : memref<80x128xf32, #tpu.memory_space<vmem>> -> memref<72x128xf32, #tpu.memory_space<vmem>>
      tpu.enqueue_dma source(%dma_start3A_108 : memref<72x128xf32, #tpu.memory_space<vmem>>) target(%dma_start3A_105 : memref<72x128xf32, #tpu.memory_space<vmem_shared>>) target_semaphore(%run_scoped3A : memref<!tpu.dma_semaphore, #tpu.memory_space<semaphore_mem>>)
      %dma_wait3A_109 = arith.constant 0 : i32
      %dma_wait3A_110 = arith.constant 0 : i32
      %dma_wait3A_111 = tpu.memref_slice %arg8[%dma_wait3A_109, %dma_wait3A_110] : memref<80x128xf32, #tpu.memory_space<vmem>> -> memref<72x128xf32, #tpu.memory_space<vmem>>
      %dma_wait3A_112 = arith.constant 0 : i32
      %dma_wait3A_113 = tpu.memref_slice %arg13[%add3A_69, %dma_wait3A_112] : memref<10112x128xf32, #tpu.memory_space<vmem_shared>> -> memref<72x128xf32, #tpu.memory_space<vmem_shared>>
      %dma_wait3A_114 = arith.constant 0 : i32
      %dma_wait3A_115 = tpu.memref_slice %arg13[%add3A_69, %dma_wait3A_114] : memref<10112x128xf32, #tpu.memory_space<vmem_shared>> -> memref<72x128xf32, #tpu.memory_space<vmem_shared>>
      %dma_wait3A_116 = arith.constant 0 : i32
      %dma_wait3A_117 = arith.constant 0 : i32
      %dma_wait3A_118 = tpu.memref_slice %arg8[%dma_wait3A_116, %dma_wait3A_117] : memref<80x128xf32, #tpu.memory_space<vmem>> -> memref<72x128xf32, #tpu.memory_space<vmem>>
      tpu.wait_dma2 semaphore(%run_scoped3A : memref<!tpu.dma_semaphore, #tpu.memory_space<semaphore_mem>>) src(%dma_wait3A_118 : memref<72x128xf32, #tpu.memory_space<vmem>>) dst(%dma_wait3A_115 : memref<72x128xf32, #tpu.memory_space<vmem_shared>>)
      tpu.yield
    }) : () -> ()
    %barrier3A = arith.constant 0 : index
    tpu.barrier barrier_id(%barrier3A)
    %scan3A_70 = arith.constant 0 : i32
    %scan3A_71 = arith.constant 0 : i32
    %scan3A_72 = arith.constant 31 : i32
    %scan3A_73 = arith.addi %scan3A_71, %scan3A_72 : i32
    %scan3A_74 = arith.constant 1 : i32
    scf.for %scan3A_99 = %scan3A_71 to %scan3A_73 step %scan3A_74  : i32 {
      %mul3A_100 = arith.constant 4 : i32
      %mul3A_101 = arith.muli %scan3A_99, %mul3A_100 : i32
      %add3A_102 = arith.constant 0 : i32
      %add3A_103 = arith.addi %mul3A_101, %add3A_102 : i32
      %ge3A = arith.constant 1 : i32
      %ge3A_104 = arith.cmpi sge, %add3A_103, %ge3A : i32
      %convert_element_type3A = arith.extui %ge3A_104 : i1 to i32
      %cond3A = arith.constant 0 : i32
      %cond3A_105 = arith.cmpi ne, %convert_element_type3A, %cond3A : i32
      scf.if %cond3A_105 {
        %dma_wait3A_219 = arith.constant 0 : i32
        %dma_wait3A_220 = arith.constant 0 : i32
        %dma_wait3A_221 = tpu.memref_slice %arg13[%dma_wait3A_219, %dma_wait3A_220] : memref<10112x128xf32, #tpu.memory_space<vmem_shared>> -> memref<10112x128xf32, #tpu.memory_space<vmem_shared>>
        tpu.wait_indirect_dma semaphore(%arg21 : memref<!tpu.dma_semaphore, #tpu.memory_space<semaphore_mem>>) src(%arg8 : memref<80x128xf32, #tpu.memory_space<vmem>>) dst(%dma_wait3A_221 : memref<10112x128xf32, #tpu.memory_space<vmem_shared>>)
      } else {
      }
      %add3A_106 = arith.constant 4 : i32
      %add3A_107 = arith.addi %add3A_103, %add3A_106 : i32
      %sub3A = arith.constant 1 : i32
      %sub3A_108 = arith.subi %add3A_107, %sub3A : i32
      %lt3A = arith.constant 125 : i32
      %lt3A_109 = arith.cmpi slt, %sub3A_108, %lt3A : i32
      %convert_element_type3A_110 = arith.extui %lt3A_109 : i1 to i32
      %cond3A_111 = arith.constant 0 : i32
      %cond3A_112 = arith.cmpi ne, %convert_element_type3A_110, %cond3A_111 : i32
      scf.if %cond3A_112 {
        %add3A_219 = arith.constant 4 : i32
        %add3A_220 = arith.addi %add3A_103, %add3A_219 : i32
        %sub3A_221 = arith.constant 1 : i32
        %sub3A_222 = arith.subi %add3A_220, %sub3A_221 : i32
        %mul3A_223 = arith.constant 80 : i32
        %mul3A_224 = arith.muli %sub3A_222, %mul3A_223 : i32
        %add3A_225 = arith.addi %mul3A_2, %mul3A_224 : i32
        %dma_start3A_226 = arith.constant 0 : i32
        %dma_start3A_227 = tpu.memref_slice %arg2[%add3A_225, %dma_start3A_226] : memref<320000x128xf32, #tpu.memory_space<hbm>> -> memref<80x128xf32, #tpu.memory_space<hbm>>
        %dma_start3A_228 = arith.constant 0 : i32
        %dma_start3A_229 = tpu.memref_slice %arg2[%add3A_225, %dma_start3A_228] : memref<320000x128xf32, #tpu.memory_space<hbm>> -> memref<80x128xf32, #tpu.memory_space<hbm>>
        tpu.enqueue_dma source(%dma_start3A_229 : memref<80x128xf32, #tpu.memory_space<hbm>>) target(%arg8 : memref<80x128xf32, #tpu.memory_space<vmem>>) target_semaphore(%arg17 : memref<!tpu.dma_semaphore, #tpu.memory_space<semaphore_mem>>)
        %mul3A_230 = arith.constant 80 : i32
        %mul3A_231 = arith.muli %sub3A_222, %mul3A_230 : i32
        %add3A_232 = arith.addi %mul3A_2, %mul3A_231 : i32
        %dma_start3A_233 = tpu.memref_slice %arg3[%add3A_232] : memref<320000xi32, #tpu.memory_space<hbm>> -> memref<80xi32, #tpu.memory_space<hbm>>
        %dma_start3A_234 = tpu.memref_slice %arg3[%add3A_232] : memref<320000xi32, #tpu.memory_space<hbm>> -> memref<80xi32, #tpu.memory_space<hbm>>
        tpu.enqueue_dma source(%dma_start3A_234 : memref<80xi32, #tpu.memory_space<hbm>>) target(%arg12 : memref<80xi32, #tpu.memory_space<vmem>>) target_semaphore(%arg17 : memref<!tpu.dma_semaphore, #tpu.memory_space<semaphore_mem>>)
      } else {
      }
      %dma_wait3A_113 = arith.constant 0 : i32
      %dma_wait3A_114 = arith.constant 0 : i32
      %dma_wait3A_115 = tpu.memref_slice %arg2[%dma_wait3A_113, %dma_wait3A_114] : memref<320000x128xf32, #tpu.memory_space<hbm>> -> memref<80x128xf32, #tpu.memory_space<hbm>>
      %dma_wait3A_116 = arith.constant 0 : i32
      %dma_wait3A_117 = arith.constant 0 : i32
      %dma_wait3A_118 = tpu.memref_slice %arg2[%dma_wait3A_116, %dma_wait3A_117] : memref<320000x128xf32, #tpu.memory_space<hbm>> -> memref<80x128xf32, #tpu.memory_space<hbm>>
      tpu.wait_dma2 semaphore(%arg14 : memref<!tpu.dma_semaphore, #tpu.memory_space<semaphore_mem>>) src(%dma_wait3A_118 : memref<80x128xf32, #tpu.memory_space<hbm>>) dst(%arg5 : memref<80x128xf32, #tpu.memory_space<vmem>>)
      %dma_wait3A_119 = arith.constant 0 : i32
      %dma_wait3A_120 = tpu.memref_slice %arg3[%dma_wait3A_119] : memref<320000xi32, #tpu.memory_space<hbm>> -> memref<80xi32, #tpu.memory_space<hbm>>
      %dma_wait3A_121 = arith.constant 0 : i32
      %dma_wait3A_122 = tpu.memref_slice %arg3[%dma_wait3A_121] : memref<320000xi32, #tpu.memory_space<hbm>> -> memref<80xi32, #tpu.memory_space<hbm>>
      tpu.wait_dma2 semaphore(%arg14 : memref<!tpu.dma_semaphore, #tpu.memory_space<semaphore_mem>>) src(%dma_wait3A_122 : memref<80xi32, #tpu.memory_space<hbm>>) dst(%arg9 : memref<80xi32, #tpu.memory_space<vmem>>)
      %dma_start3A_123 = arith.constant 0 : i32
      %dma_start3A_124 = arith.constant 0 : i32
      %dma_start3A_125 = tpu.memref_slice %arg13[%dma_start3A_123, %dma_start3A_124] : memref<10112x128xf32, #tpu.memory_space<vmem_shared>> -> memref<10112x128xf32, #tpu.memory_space<vmem_shared>>
      tpu.enqueue_indirect_dma source(%arg5 : memref<80x128xf32, #tpu.memory_space<vmem>>) target(%dma_start3A_125 : memref<10112x128xf32, #tpu.memory_space<vmem_shared>>) offsets(%arg9 : memref<80xi32, #tpu.memory_space<vmem>>) semaphore(%arg18 : memref<!tpu.dma_semaphore, #tpu.memory_space<semaphore_mem>>) {add = true}
      %mul3A_126 = arith.constant 4 : i32
      %mul3A_127 = arith.muli %scan3A_99, %mul3A_126 : i32
      %add3A_128 = arith.constant 1 : i32
      %add3A_129 = arith.addi %mul3A_127, %add3A_128 : i32
      %ge3A_130 = arith.constant 1 : i32
      %ge3A_131 = arith.cmpi sge, %add3A_129, %ge3A_130 : i32
      %convert_element_type3A_132 = arith.extui %ge3A_131 : i1 to i32
      %cond3A_133 = arith.constant 0 : i32
      %cond3A_134 = arith.cmpi ne, %convert_element_type3A_132, %cond3A_133 : i32
      scf.if %cond3A_134 {
        %dma_wait3A_219 = arith.constant 0 : i32
        %dma_wait3A_220 = arith.constant 0 : i32
        %dma_wait3A_221 = tpu.memref_slice %arg13[%dma_wait3A_219, %dma_wait3A_220] : memref<10112x128xf32, #tpu.memory_space<vmem_shared>> -> memref<10112x128xf32, #tpu.memory_space<vmem_shared>>
        tpu.wait_indirect_dma semaphore(%arg18 : memref<!tpu.dma_semaphore, #tpu.memory_space<semaphore_mem>>) src(%arg5 : memref<80x128xf32, #tpu.memory_space<vmem>>) dst(%dma_wait3A_221 : memref<10112x128xf32, #tpu.memory_space<vmem_shared>>)
      } else {
      }
      %add3A_135 = arith.constant 4 : i32
      %add3A_136 = arith.addi %add3A_129, %add3A_135 : i32
      %sub3A_137 = arith.constant 1 : i32
      %sub3A_138 = arith.subi %add3A_136, %sub3A_137 : i32
      %lt3A_139 = arith.constant 125 : i32
      %lt3A_140 = arith.cmpi slt, %sub3A_138, %lt3A_139 : i32
      %convert_element_type3A_141 = arith.extui %lt3A_140 : i1 to i32
      %cond3A_142 = arith.constant 0 : i32
      %cond3A_143 = arith.cmpi ne, %convert_element_type3A_141, %cond3A_142 : i32
      scf.if %cond3A_143 {
        %add3A_219 = arith.constant 4 : i32
        %add3A_220 = arith.addi %add3A_129, %add3A_219 : i32
        %sub3A_221 = arith.constant 1 : i32
        %sub3A_222 = arith.subi %add3A_220, %sub3A_221 : i32
        %mul3A_223 = arith.constant 80 : i32
        %mul3A_224 = arith.muli %sub3A_222, %mul3A_223 : i32
        %add3A_225 = arith.addi %mul3A_2, %mul3A_224 : i32
        %dma_start3A_226 = arith.constant 0 : i32
        %dma_start3A_227 = tpu.memref_slice %arg2[%add3A_225, %dma_start3A_226] : memref<320000x128xf32, #tpu.memory_space<hbm>> -> memref<80x128xf32, #tpu.memory_space<hbm>>
        %dma_start3A_228 = arith.constant 0 : i32
        %dma_start3A_229 = tpu.memref_slice %arg2[%add3A_225, %dma_start3A_228] : memref<320000x128xf32, #tpu.memory_space<hbm>> -> memref<80x128xf32, #tpu.memory_space<hbm>>
        tpu.enqueue_dma source(%dma_start3A_229 : memref<80x128xf32, #tpu.memory_space<hbm>>) target(%arg5 : memref<80x128xf32, #tpu.memory_space<vmem>>) target_semaphore(%arg14 : memref<!tpu.dma_semaphore, #tpu.memory_space<semaphore_mem>>)
        %mul3A_230 = arith.constant 80 : i32
        %mul3A_231 = arith.muli %sub3A_222, %mul3A_230 : i32
        %add3A_232 = arith.addi %mul3A_2, %mul3A_231 : i32
        %dma_start3A_233 = tpu.memref_slice %arg3[%add3A_232] : memref<320000xi32, #tpu.memory_space<hbm>> -> memref<80xi32, #tpu.memory_space<hbm>>
        %dma_start3A_234 = tpu.memref_slice %arg3[%add3A_232] : memref<320000xi32, #tpu.memory_space<hbm>> -> memref<80xi32, #tpu.memory_space<hbm>>
        tpu.enqueue_dma source(%dma_start3A_234 : memref<80xi32, #tpu.memory_space<hbm>>) target(%arg9 : memref<80xi32, #tpu.memory_space<vmem>>) target_semaphore(%arg14 : memref<!tpu.dma_semaphore, #tpu.memory_space<semaphore_mem>>)
      } else {
      }
      %dma_wait3A_144 = arith.constant 0 : i32
      %dma_wait3A_145 = arith.constant 0 : i32
      %dma_wait3A_146 = tpu.memref_slice %arg2[%dma_wait3A_144, %dma_wait3A_145] : memref<320000x128xf32, #tpu.memory_space<hbm>> -> memref<80x128xf32, #tpu.memory_space<hbm>>
      %dma_wait3A_147 = arith.constant 0 : i32
      %dma_wait3A_148 = arith.constant 0 : i32
      %dma_wait3A_149 = tpu.memref_slice %arg2[%dma_wait3A_147, %dma_wait3A_148] : memref<320000x128xf32, #tpu.memory_space<hbm>> -> memref<80x128xf32, #tpu.memory_space<hbm>>
      tpu.wait_dma2 semaphore(%arg15 : memref<!tpu.dma_semaphore, #tpu.memory_space<semaphore_mem>>) src(%dma_wait3A_149 : memref<80x128xf32, #tpu.memory_space<hbm>>) dst(%arg6 : memref<80x128xf32, #tpu.memory_space<vmem>>)
      %dma_wait3A_150 = arith.constant 0 : i32
      %dma_wait3A_151 = tpu.memref_slice %arg3[%dma_wait3A_150] : memref<320000xi32, #tpu.memory_space<hbm>> -> memref<80xi32, #tpu.memory_space<hbm>>
      %dma_wait3A_152 = arith.constant 0 : i32
      %dma_wait3A_153 = tpu.memref_slice %arg3[%dma_wait3A_152] : memref<320000xi32, #tpu.memory_space<hbm>> -> memref<80xi32, #tpu.memory_space<hbm>>
      tpu.wait_dma2 semaphore(%arg15 : memref<!tpu.dma_semaphore, #tpu.memory_space<semaphore_mem>>) src(%dma_wait3A_153 : memref<80xi32, #tpu.memory_space<hbm>>) dst(%arg10 : memref<80xi32, #tpu.memory_space<vmem>>)
      %dma_start3A_154 = arith.constant 0 : i32
      %dma_start3A_155 = arith.constant 0 : i32
      %dma_start3A_156 = tpu.memref_slice %arg13[%dma_start3A_154, %dma_start3A_155] : memref<10112x128xf32, #tpu.memory_space<vmem_shared>> -> memref<10112x128xf32, #tpu.memory_space<vmem_shared>>
      tpu.enqueue_indirect_dma source(%arg6 : memref<80x128xf32, #tpu.memory_space<vmem>>) target(%dma_start3A_156 : memref<10112x128xf32, #tpu.memory_space<vmem_shared>>) offsets(%arg10 : memref<80xi32, #tpu.memory_space<vmem>>) semaphore(%arg19 : memref<!tpu.dma_semaphore, #tpu.memory_space<semaphore_mem>>) {add = true}
      %mul3A_157 = arith.constant 4 : i32
      %mul3A_158 = arith.muli %scan3A_99, %mul3A_157 : i32
      %add3A_159 = arith.constant 2 : i32
      %add3A_160 = arith.addi %mul3A_158, %add3A_159 : i32
      %ge3A_161 = arith.constant 1 : i32
      %ge3A_162 = arith.cmpi sge, %add3A_160, %ge3A_161 : i32
      %convert_element_type3A_163 = arith.extui %ge3A_162 : i1 to i32
      %cond3A_164 = arith.constant 0 : i32
      %cond3A_165 = arith.cmpi ne, %convert_element_type3A_163, %cond3A_164 : i32
      scf.if %cond3A_165 {
        %dma_wait3A_219 = arith.constant 0 : i32
        %dma_wait3A_220 = arith.constant 0 : i32
        %dma_wait3A_221 = tpu.memref_slice %arg13[%dma_wait3A_219, %dma_wait3A_220] : memref<10112x128xf32, #tpu.memory_space<vmem_shared>> -> memref<10112x128xf32, #tpu.memory_space<vmem_shared>>
        tpu.wait_indirect_dma semaphore(%arg19 : memref<!tpu.dma_semaphore, #tpu.memory_space<semaphore_mem>>) src(%arg6 : memref<80x128xf32, #tpu.memory_space<vmem>>) dst(%dma_wait3A_221 : memref<10112x128xf32, #tpu.memory_space<vmem_shared>>)
      } else {
      }
      %add3A_166 = arith.constant 4 : i32
      %add3A_167 = arith.addi %add3A_160, %add3A_166 : i32
      %sub3A_168 = arith.constant 1 : i32
      %sub3A_169 = arith.subi %add3A_167, %sub3A_168 : i32
      %lt3A_170 = arith.constant 125 : i32
      %lt3A_171 = arith.cmpi slt, %sub3A_169, %lt3A_170 : i32
      %convert_element_type3A_172 = arith.extui %lt3A_171 : i1 to i32
      %cond3A_173 = arith.constant 0 : i32
      %cond3A_174 = arith.cmpi ne, %convert_element_type3A_172, %cond3A_173 : i32
      scf.if %cond3A_174 {
        %add3A_219 = arith.constant 4 : i32
        %add3A_220 = arith.addi %add3A_160, %add3A_219 : i32
        %sub3A_221 = arith.constant 1 : i32
        %sub3A_222 = arith.subi %add3A_220, %sub3A_221 : i32
        %mul3A_223 = arith.constant 80 : i32
        %mul3A_224 = arith.muli %sub3A_222, %mul3A_223 : i32
        %add3A_225 = arith.addi %mul3A_2, %mul3A_224 : i32
        %dma_start3A_226 = arith.constant 0 : i32
        %dma_start3A_227 = tpu.memref_slice %arg2[%add3A_225, %dma_start3A_226] : memref<320000x128xf32, #tpu.memory_space<hbm>> -> memref<80x128xf32, #tpu.memory_space<hbm>>
        %dma_start3A_228 = arith.constant 0 : i32
        %dma_start3A_229 = tpu.memref_slice %arg2[%add3A_225, %dma_start3A_228] : memref<320000x128xf32, #tpu.memory_space<hbm>> -> memref<80x128xf32, #tpu.memory_space<hbm>>
        tpu.enqueue_dma source(%dma_start3A_229 : memref<80x128xf32, #tpu.memory_space<hbm>>) target(%arg6 : memref<80x128xf32, #tpu.memory_space<vmem>>) target_semaphore(%arg15 : memref<!tpu.dma_semaphore, #tpu.memory_space<semaphore_mem>>)
        %mul3A_230 = arith.constant 80 : i32
        %mul3A_231 = arith.muli %sub3A_222, %mul3A_230 : i32
        %add3A_232 = arith.addi %mul3A_2, %mul3A_231 : i32
        %dma_start3A_233 = tpu.memref_slice %arg3[%add3A_232] : memref<320000xi32, #tpu.memory_space<hbm>> -> memref<80xi32, #tpu.memory_space<hbm>>
        %dma_start3A_234 = tpu.memref_slice %arg3[%add3A_232] : memref<320000xi32, #tpu.memory_space<hbm>> -> memref<80xi32, #tpu.memory_space<hbm>>
        tpu.enqueue_dma source(%dma_start3A_234 : memref<80xi32, #tpu.memory_space<hbm>>) target(%arg10 : memref<80xi32, #tpu.memory_space<vmem>>) target_semaphore(%arg15 : memref<!tpu.dma_semaphore, #tpu.memory_space<semaphore_mem>>)
      } else {
      }
      %dma_wait3A_175 = arith.constant 0 : i32
      %dma_wait3A_176 = arith.constant 0 : i32
      %dma_wait3A_177 = tpu.memref_slice %arg2[%dma_wait3A_175, %dma_wait3A_176] : memref<320000x128xf32, #tpu.memory_space<hbm>> -> memref<80x128xf32, #tpu.memory_space<hbm>>
      %dma_wait3A_178 = arith.constant 0 : i32
      %dma_wait3A_179 = arith.constant 0 : i32
      %dma_wait3A_180 = tpu.memref_slice %arg2[%dma_wait3A_178, %dma_wait3A_179] : memref<320000x128xf32, #tpu.memory_space<hbm>> -> memref<80x128xf32, #tpu.memory_space<hbm>>
      tpu.wait_dma2 semaphore(%arg16 : memref<!tpu.dma_semaphore, #tpu.memory_space<semaphore_mem>>) src(%dma_wait3A_180 : memref<80x128xf32, #tpu.memory_space<hbm>>) dst(%arg7 : memref<80x128xf32, #tpu.memory_space<vmem>>)
      %dma_wait3A_181 = arith.constant 0 : i32
      %dma_wait3A_182 = tpu.memref_slice %arg3[%dma_wait3A_181] : memref<320000xi32, #tpu.memory_space<hbm>> -> memref<80xi32, #tpu.memory_space<hbm>>
      %dma_wait3A_183 = arith.constant 0 : i32
      %dma_wait3A_184 = tpu.memref_slice %arg3[%dma_wait3A_183] : memref<320000xi32, #tpu.memory_space<hbm>> -> memref<80xi32, #tpu.memory_space<hbm>>
      tpu.wait_dma2 semaphore(%arg16 : memref<!tpu.dma_semaphore, #tpu.memory_space<semaphore_mem>>) src(%dma_wait3A_184 : memref<80xi32, #tpu.memory_space<hbm>>) dst(%arg11 : memref<80xi32, #tpu.memory_space<vmem>>)
      %dma_start3A_185 = arith.constant 0 : i32
      %dma_start3A_186 = arith.constant 0 : i32
      %dma_start3A_187 = tpu.memref_slice %arg13[%dma_start3A_185, %dma_start3A_186] : memref<10112x128xf32, #tpu.memory_space<vmem_shared>> -> memref<10112x128xf32, #tpu.memory_space<vmem_shared>>
      tpu.enqueue_indirect_dma source(%arg7 : memref<80x128xf32, #tpu.memory_space<vmem>>) target(%dma_start3A_187 : memref<10112x128xf32, #tpu.memory_space<vmem_shared>>) offsets(%arg11 : memref<80xi32, #tpu.memory_space<vmem>>) semaphore(%arg20 : memref<!tpu.dma_semaphore, #tpu.memory_space<semaphore_mem>>) {add = true}
      %mul3A_188 = arith.constant 4 : i32
      %mul3A_189 = arith.muli %scan3A_99, %mul3A_188 : i32
      %add3A_190 = arith.constant 3 : i32
      %add3A_191 = arith.addi %mul3A_189, %add3A_190 : i32
      %ge3A_192 = arith.constant 1 : i32
      %ge3A_193 = arith.cmpi sge, %add3A_191, %ge3A_192 : i32
      %convert_element_type3A_194 = arith.extui %ge3A_193 : i1 to i32
      %cond3A_195 = arith.constant 0 : i32
      %cond3A_196 = arith.cmpi ne, %convert_element_type3A_194, %cond3A_195 : i32
      scf.if %cond3A_196 {
        %dma_wait3A_219 = arith.constant 0 : i32
        %dma_wait3A_220 = arith.constant 0 : i32
        %dma_wait3A_221 = tpu.memref_slice %arg13[%dma_wait3A_219, %dma_wait3A_220] : memref<10112x128xf32, #tpu.memory_space<vmem_shared>> -> memref<10112x128xf32, #tpu.memory_space<vmem_shared>>
        tpu.wait_indirect_dma semaphore(%arg20 : memref<!tpu.dma_semaphore, #tpu.memory_space<semaphore_mem>>) src(%arg7 : memref<80x128xf32, #tpu.memory_space<vmem>>) dst(%dma_wait3A_221 : memref<10112x128xf32, #tpu.memory_space<vmem_shared>>)
      } else {
      }
      %add3A_197 = arith.constant 4 : i32
      %add3A_198 = arith.addi %add3A_191, %add3A_197 : i32
      %sub3A_199 = arith.constant 1 : i32
      %sub3A_200 = arith.subi %add3A_198, %sub3A_199 : i32
      %lt3A_201 = arith.constant 125 : i32
      %lt3A_202 = arith.cmpi slt, %sub3A_200, %lt3A_201 : i32
      %convert_element_type3A_203 = arith.extui %lt3A_202 : i1 to i32
      %cond3A_204 = arith.constant 0 : i32
      %cond3A_205 = arith.cmpi ne, %convert_element_type3A_203, %cond3A_204 : i32
      scf.if %cond3A_205 {
        %add3A_219 = arith.constant 4 : i32
        %add3A_220 = arith.addi %add3A_191, %add3A_219 : i32
        %sub3A_221 = arith.constant 1 : i32
        %sub3A_222 = arith.subi %add3A_220, %sub3A_221 : i32
        %mul3A_223 = arith.constant 80 : i32
        %mul3A_224 = arith.muli %sub3A_222, %mul3A_223 : i32
        %add3A_225 = arith.addi %mul3A_2, %mul3A_224 : i32
        %dma_start3A_226 = arith.constant 0 : i32
        %dma_start3A_227 = tpu.memref_slice %arg2[%add3A_225, %dma_start3A_226] : memref<320000x128xf32, #tpu.memory_space<hbm>> -> memref<80x128xf32, #tpu.memory_space<hbm>>
        %dma_start3A_228 = arith.constant 0 : i32
        %dma_start3A_229 = tpu.memref_slice %arg2[%add3A_225, %dma_start3A_228] : memref<320000x128xf32, #tpu.memory_space<hbm>> -> memref<80x128xf32, #tpu.memory_space<hbm>>
        tpu.enqueue_dma source(%dma_start3A_229 : memref<80x128xf32, #tpu.memory_space<hbm>>) target(%arg7 : memref<80x128xf32, #tpu.memory_space<vmem>>) target_semaphore(%arg16 : memref<!tpu.dma_semaphore, #tpu.memory_space<semaphore_mem>>)
        %mul3A_230 = arith.constant 80 : i32
        %mul3A_231 = arith.muli %sub3A_222, %mul3A_230 : i32
        %add3A_232 = arith.addi %mul3A_2, %mul3A_231 : i32
        %dma_start3A_233 = tpu.memref_slice %arg3[%add3A_232] : memref<320000xi32, #tpu.memory_space<hbm>> -> memref<80xi32, #tpu.memory_space<hbm>>
        %dma_start3A_234 = tpu.memref_slice %arg3[%add3A_232] : memref<320000xi32, #tpu.memory_space<hbm>> -> memref<80xi32, #tpu.memory_space<hbm>>
        tpu.enqueue_dma source(%dma_start3A_234 : memref<80xi32, #tpu.memory_space<hbm>>) target(%arg11 : memref<80xi32, #tpu.memory_space<vmem>>) target_semaphore(%arg16 : memref<!tpu.dma_semaphore, #tpu.memory_space<semaphore_mem>>)
      } else {
      }
      %dma_wait3A_206 = arith.constant 0 : i32
      %dma_wait3A_207 = arith.constant 0 : i32
      %dma_wait3A_208 = tpu.memref_slice %arg2[%dma_wait3A_206, %dma_wait3A_207] : memref<320000x128xf32, #tpu.memory_space<hbm>> -> memref<80x128xf32, #tpu.memory_space<hbm>>
      %dma_wait3A_209 = arith.constant 0 : i32
      %dma_wait3A_210 = arith.constant 0 : i32
      %dma_wait3A_211 = tpu.memref_slice %arg2[%dma_wait3A_209, %dma_wait3A_210] : memref<320000x128xf32, #tpu.memory_space<hbm>> -> memref<80x128xf32, #tpu.memory_space<hbm>>
      tpu.wait_dma2 semaphore(%arg17 : memref<!tpu.dma_semaphore, #tpu.memory_space<semaphore_mem>>) src(%dma_wait3A_211 : memref<80x128xf32, #tpu.memory_space<hbm>>) dst(%arg8 : memref<80x128xf32, #tpu.memory_space<vmem>>)
      %dma_wait3A_212 = arith.constant 0 : i32
      %dma_wait3A_213 = tpu.memref_slice %arg3[%dma_wait3A_212] : memref<320000xi32, #tpu.memory_space<hbm>> -> memref<80xi32, #tpu.memory_space<hbm>>
      %dma_wait3A_214 = arith.constant 0 : i32
      %dma_wait3A_215 = tpu.memref_slice %arg3[%dma_wait3A_214] : memref<320000xi32, #tpu.memory_space<hbm>> -> memref<80xi32, #tpu.memory_space<hbm>>
      tpu.wait_dma2 semaphore(%arg17 : memref<!tpu.dma_semaphore, #tpu.memory_space<semaphore_mem>>) src(%dma_wait3A_215 : memref<80xi32, #tpu.memory_space<hbm>>) dst(%arg12 : memref<80xi32, #tpu.memory_space<vmem>>)
      %dma_start3A_216 = arith.constant 0 : i32
      %dma_start3A_217 = arith.constant 0 : i32
      %dma_start3A_218 = tpu.memref_slice %arg13[%dma_start3A_216, %dma_start3A_217] : memref<10112x128xf32, #tpu.memory_space<vmem_shared>> -> memref<10112x128xf32, #tpu.memory_space<vmem_shared>>
      tpu.enqueue_indirect_dma source(%arg8 : memref<80x128xf32, #tpu.memory_space<vmem>>) target(%dma_start3A_218 : memref<10112x128xf32, #tpu.memory_space<vmem_shared>>) offsets(%arg12 : memref<80xi32, #tpu.memory_space<vmem>>) semaphore(%arg21 : memref<!tpu.dma_semaphore, #tpu.memory_space<semaphore_mem>>) {add = true}
    }
    %scan3A_75 = arith.constant 31 : i32
    %dma_wait3A = arith.constant 0 : i32
    %dma_wait3A_76 = arith.constant 0 : i32
    %dma_wait3A_77 = tpu.memref_slice %arg13[%dma_wait3A, %dma_wait3A_76] : memref<10112x128xf32, #tpu.memory_space<vmem_shared>> -> memref<10112x128xf32, #tpu.memory_space<vmem_shared>>
    tpu.wait_indirect_dma semaphore(%arg21 : memref<!tpu.dma_semaphore, #tpu.memory_space<semaphore_mem>>) src(%arg8 : memref<80x128xf32, #tpu.memory_space<vmem>>) dst(%dma_wait3A_77 : memref<10112x128xf32, #tpu.memory_space<vmem_shared>>)
    %dma_wait3A_78 = arith.constant 0 : i32
    %dma_wait3A_79 = arith.constant 0 : i32
    %dma_wait3A_80 = tpu.memref_slice %arg2[%dma_wait3A_78, %dma_wait3A_79] : memref<320000x128xf32, #tpu.memory_space<hbm>> -> memref<80x128xf32, #tpu.memory_space<hbm>>
    %dma_wait3A_81 = arith.constant 0 : i32
    %dma_wait3A_82 = arith.constant 0 : i32
    %dma_wait3A_83 = tpu.memref_slice %arg2[%dma_wait3A_81, %dma_wait3A_82] : memref<320000x128xf32, #tpu.memory_space<hbm>> -> memref<80x128xf32, #tpu.memory_space<hbm>>
    tpu.wait_dma2 semaphore(%arg14 : memref<!tpu.dma_semaphore, #tpu.memory_space<semaphore_mem>>) src(%dma_wait3A_83 : memref<80x128xf32, #tpu.memory_space<hbm>>) dst(%arg5 : memref<80x128xf32, #tpu.memory_space<vmem>>)
    %dma_wait3A_84 = arith.constant 0 : i32
    %dma_wait3A_85 = tpu.memref_slice %arg3[%dma_wait3A_84] : memref<320000xi32, #tpu.memory_space<hbm>> -> memref<80xi32, #tpu.memory_space<hbm>>
    %dma_wait3A_86 = arith.constant 0 : i32
    %dma_wait3A_87 = tpu.memref_slice %arg3[%dma_wait3A_86] : memref<320000xi32, #tpu.memory_space<hbm>> -> memref<80xi32, #tpu.memory_space<hbm>>
    tpu.wait_dma2 semaphore(%arg14 : memref<!tpu.dma_semaphore, #tpu.memory_space<semaphore_mem>>) src(%dma_wait3A_87 : memref<80xi32, #tpu.memory_space<hbm>>) dst(%arg9 : memref<80xi32, #tpu.memory_space<vmem>>)
    %dma_start3A_88 = arith.constant 0 : i32
    %dma_start3A_89 = arith.constant 0 : i32
    %dma_start3A_90 = tpu.memref_slice %arg13[%dma_start3A_88, %dma_start3A_89] : memref<10112x128xf32, #tpu.memory_space<vmem_shared>> -> memref<10112x128xf32, #tpu.memory_space<vmem_shared>>
    tpu.enqueue_indirect_dma source(%arg5 : memref<80x128xf32, #tpu.memory_space<vmem>>) target(%dma_start3A_90 : memref<10112x128xf32, #tpu.memory_space<vmem_shared>>) offsets(%arg9 : memref<80xi32, #tpu.memory_space<vmem>>) semaphore(%arg18 : memref<!tpu.dma_semaphore, #tpu.memory_space<semaphore_mem>>) {add = true}
    %dma_wait3A_91 = arith.constant 0 : i32
    %dma_wait3A_92 = arith.constant 0 : i32
    %dma_wait3A_93 = tpu.memref_slice %arg13[%dma_wait3A_91, %dma_wait3A_92] : memref<10112x128xf32, #tpu.memory_space<vmem_shared>> -> memref<10112x128xf32, #tpu.memory_space<vmem_shared>>
    tpu.wait_indirect_dma semaphore(%arg18 : memref<!tpu.dma_semaphore, #tpu.memory_space<semaphore_mem>>) src(%arg5 : memref<80x128xf32, #tpu.memory_space<vmem>>) dst(%dma_wait3A_93 : memref<10112x128xf32, #tpu.memory_space<vmem_shared>>)
    %barrier3A_94 = arith.constant 0 : index
    tpu.barrier barrier_id(%barrier3A_94)
    %mul3A_95 = arith.constant 632 : i32
    %mul3A_96 = arith.muli %arg1, %mul3A_95 : i32
    %mul3A_97 = arith.constant 632 : i32
    %mul3A_98 = arith.muli %arg1, %mul3A_97 : i32
    "tpu.region"() ({
      %run_scoped3A = tpu.sem_alloc : memref<!tpu.dma_semaphore, #tpu.memory_space<semaphore_mem>>
      %dma_start3A_99 = arith.constant 0 : i32
      %dma_start3A_100 = arith.constant 0 : i32
      %dma_start3A_101 = tpu.memref_slice %arg4[%arg0, %dma_start3A_99, %dma_start3A_100] : memref<2x10112x128xf32, #tpu.memory_space<hbm>> -> memref<1x10112x128xf32, #tpu.memory_space<hbm>>
      %dma_start3A_102 = tpu.memref_squeeze %dma_start3A_101 : memref<1x10112x128xf32, #tpu.memory_space<hbm>> -> memref<10112x128xf32, #tpu.memory_space<hbm>>
      %dma_start3A_103 = arith.constant 0 : i32
      %dma_start3A_104 = tpu.memref_slice %dma_start3A_102[%mul3A_98, %dma_start3A_103] : memref<10112x128xf32, #tpu.memory_space<hbm>> -> memref<632x128xf32, #tpu.memory_space<hbm>>
      %dma_start3A_105 = arith.constant 0 : i32
      %dma_start3A_106 = tpu.memref_slice %arg13[%mul3A_96, %dma_start3A_105] : memref<10112x128xf32, #tpu.memory_space<vmem_shared>> -> memref<632x128xf32, #tpu.memory_space<vmem_shared>>
      tpu.enqueue_dma source(%dma_start3A_106 : memref<632x128xf32, #tpu.memory_space<vmem_shared>>) target(%dma_start3A_104 : memref<632x128xf32, #tpu.memory_space<hbm>>) target_semaphore(%run_scoped3A : memref<!tpu.dma_semaphore, #tpu.memory_space<semaphore_mem>>)
      %dma_wait3A_107 = arith.constant 0 : i32
      %dma_wait3A_108 = arith.constant 0 : i32
      %dma_wait3A_109 = tpu.memref_slice %arg4[%arg0, %dma_wait3A_107, %dma_wait3A_108] : memref<2x10112x128xf32, #tpu.memory_space<hbm>> -> memref<1x10112x128xf32, #tpu.memory_space<hbm>>
      %dma_wait3A_110 = tpu.memref_squeeze %dma_wait3A_109 : memref<1x10112x128xf32, #tpu.memory_space<hbm>> -> memref<10112x128xf32, #tpu.memory_space<hbm>>
      %dma_wait3A_111 = arith.constant 0 : i32
      %dma_wait3A_112 = tpu.memref_slice %dma_wait3A_110[%mul3A_98, %dma_wait3A_111] : memref<10112x128xf32, #tpu.memory_space<hbm>> -> memref<632x128xf32, #tpu.memory_space<hbm>>
      %dma_wait3A_113 = arith.constant 0 : i32
      %dma_wait3A_114 = tpu.memref_slice %arg13[%mul3A_96, %dma_wait3A_113] : memref<10112x128xf32, #tpu.memory_space<vmem_shared>> -> memref<632x128xf32, #tpu.memory_space<vmem_shared>>
      tpu.wait_dma2 semaphore(%run_scoped3A : memref<!tpu.dma_semaphore, #tpu.memory_space<semaphore_mem>>) src(%dma_wait3A_114 : memref<632x128xf32, #tpu.memory_space<vmem_shared>>) dst(%dma_wait3A_112 : memref<632x128xf32, #tpu.memory_space<hbm>>)
      tpu.yield
    }) : () -> ()
    return
  }
}

module attributes {stable_mosaic.version = 14 : i64} {
  func.func @merge_body(%arg0: i32, %arg1: memref<2x1000x128xf32, #tpu.memory_space<vmem>>, %arg2: memref<1000x128xf32, #tpu.memory_space<vmem>>) attributes {dimension_semantics = [#tpu.dimension_semantics<arbitrary>], iteration_bounds = array<i64: 10>, scalar_prefetch = 0 : i64, scratch_operands = 0 : i64, tpu.core_type = #tpu.core_type<tc>, window_params = [{transform_indices = @transform_0, window_bounds = array<i64: 2, 1000, 128>}, {transform_indices = @transform_1, window_bounds = array<i64: 1000, 128>}]} {
    %get3A = arith.constant 0 : index
    %get3A_0 = arith.constant 0 : index
    %get3A_1 = arith.constant 0 : index
    %get3A_2 = vector.load %arg1[%get3A, %get3A_0, %get3A_1] : memref<2x1000x128xf32, #tpu.memory_space<vmem>>, vector<1x1000x128xf32>
    %get3A_3 = vector.shape_cast %get3A_2 : vector<1x1000x128xf32> to vector<1000x128xf32>
    %get3A_4 = arith.constant 1 : index
    %get3A_5 = arith.constant 0 : index
    %get3A_6 = arith.constant 0 : index
    %get3A_7 = vector.load %arg1[%get3A_4, %get3A_5, %get3A_6] : memref<2x1000x128xf32, #tpu.memory_space<vmem>>, vector<1x1000x128xf32>
    %get3A_8 = vector.shape_cast %get3A_7 : vector<1x1000x128xf32> to vector<1000x128xf32>
    %add3A = arith.addf %get3A_3, %get3A_8 : vector<1000x128xf32>
    %swap3A = arith.constant 0 : index
    %swap3A_9 = arith.constant 0 : index
    %swap3A_10 = vector.load %arg2[%swap3A, %swap3A_9] : memref<1000x128xf32, #tpu.memory_space<vmem>>, vector<1000x128xf32>
    tpu.vector_store %arg2[%swap3A, %swap3A_9], %add3A {strides = array<i32>} : memref<1000x128xf32, #tpu.memory_space<vmem>>, vector<1000x128xf32>,
    return
  }
  func.func @transform_0(%arg0: i32) -> (i32, i32, i32) {
    %c0_i32 = arith.constant 0 : i32
    %c0_i32_0 = arith.constant 0 : i32
    %c0_i32_1 = arith.constant 0 : i32
    return %c0_i32, %arg0, %c0_i32_0 : i32, i32, i32
  }
  func.func @transform_1(%arg0: i32) -> (i32, i32) {
    %c0_i32 = arith.constant 0 : i32
    %c0_i32_0 = arith.constant 0 : i32
    return %arg0, %c0_i32 : i32, i32
  }
}

</mosaic_0001>

<sc_bundles>
// kernel: kernel.4.cloned.1.call-start
scs
__scs_entry_jumppad:
0x0: {  	(pc) =	sbr.rel $0x88, $3  }
0x1: {  	(tag) =	ssettag $0x0;
	lr =	simm.s32 $0x1  }
0x2: {  	[smem:$0x3F9F] =	sst lr;
	_ =	strace $0xD0000000  }
0x3: {  	_ = 	snop  }
0x4: {  	_ = 	snop  }
0x5: {  	_ = 	snop  }
0x6: {  	_ = 	snop  }
0x7: {  	_ = 	snop  }
__scs_overlays_trampoline_lowered:
0x8: {  	[smem:$0x3FAE] =	sst s0  }
0x9: {  	[smem:$0x3FAF] =	sst s1  }
0xa: {  	[smem:$0x3FB0] =	sst s2  }
0xb: {  	[smem:$0x3FB1] =	sst s3  }
0xc: {  	[smem:$0x3FB2] =	sst s4  }
0xd: {  	[smem:$0x3FB3] =	sst s5  }
0xe: {  	[smem:$0x3FB4] =	sst s6  }
0xf: {  	[smem:$0x3FB5] =	sst s7  }
0x10: {  	[smem:$0x3FB6] =	sst s8  }
0x11: {  	[smem:$0x3FB7] =	sst s9;
	s0 =	simm.s32 @!p0 $0x0  }
0x12: {  	s1 =	sld [smem:$0x3F9D];
	s0 =	simm.s32 @p0 $0x1  }
0x13: {  	[smem:$0x3FB8] =	sst s0;
	s0 =	simm.s32 @!p1 $0x0  }
0x14: {  	s2 =	sld [smem:$0x3F9C];
	s0 =	simm.s32 @p1 $0x1  }
0x15: {  	[smem:$0x3FB9] =	sst s0;
	s0 =	simm.s32 @!p2 $0x0  }
0x16: {  	s3 =	sld [smem:$0x3FDB];
	s0 =	simm.s32 @p2 $0x1  }
0x17: {  	s4 =	simm.s32 $0x1BF5;
	[smem:$0x3FBB] =	sst s0  }
0x18: {  	s0 =	sld [smem:$0x3F9E];
	_ =	swait.ge [sflag:s4], $0x0  }
0x19: {  	s7 =	sld [smem:$0x3F9F]  }
0x1a: {  	s8 =	sadd.s32 $0xFFFFE003, lr  }
0x1b: {  	s9 =	sadd.s32 $0xFFFFFEF7, lr;
	s5 =	simm.s32 $0xFFFFFFFF;
	p2 =	slt.u32 s8, $0xFFFFF086  }
0x1c: {  	p1 =	slt.u32 s9, $0xF7A;
	s5 =	simm.s32 @!p2 $0x0  }
0x1d: {  	s5 =	simm.s32 @p1 $0x1;
	p0 =	seq.s32 s7, s2  }
0x1e: {  	s7 =	smul.u32 @!p0 $0xF7A, s2;
	p2 =	seq.s32 @!p0 s5, $0x0  }
0x1f: {  	s9 =	smul.u32 $0xF7A, s1;
	s8 =	simm.s32 @!p0 $0x1BF5;
	p2 =	por !p2, p0  }
0x20: {  	[sflag:s8] =	ssyncset.s32 @!p0 $0xFFFFF086;
	s6 =	sadd.s32 @!p0 s3, s7;
	s7 =	simm.s32 @!p0 $0x108  }
0x21: {  	s3 =	sadd.s32 s3, s9;
	s6 =	sadd.s32 @!p0 $0x88, s6;
	s7 =	simm.s32 @p2 $0x1082  }
0x22: {  	[simem:s7], [sflag:s8] =	dma.local @!p0 [hbm:s6], $0xF7A  }
0x23: {  	s9 =	sor.u32 $0xD0000000, s2;
	s6 =	simm.s32 $0x108;
	_ =	swait.ge @!p0 [sflag:s8], $0x0  }
0x24: {  	s3 =	sadd.s32 $0x88, s3;
	s6 =	simm.s32 @!p1 $0x1082;
	[sflag:s4] =	ssyncset.s32 $0xFFFFF086  }
0x25: {  	[simem:s6], [sflag:s4] =	dma.local [hbm:s3], $0xF7A  }
0x26: {  	[smem:$0x3F9F] =	sst s1;
	(tag) =	ssettag s2;
	_ =	strace s9  }
0x27: {  	s1 =	sld [smem:$0x3FAF]  }
0x28: {  	s2 =	sld [smem:$0x3FB0]  }
0x29: {  	s4 =	sld [smem:$0x3FB2]  }
0x2a: {  	p0 =	seq.s32 s5, $0x0;
	s5 =	sld [smem:$0x3FB3]  }
0x2b: {  	s6 =	sld [smem:$0x3FB4]  }
0x2c: {  	s7 =	sld [smem:$0x3FB5]  }
0x2d: {  	s3 =	simm.s32 $0x108;
	s8 =	sld [smem:$0x3FB6]  }
0x2e: {  	s3 =	simm.s32 @!p0 $0x1082;
	s9 =	sld [smem:$0x3FB7]  }
0x2f: {  	lr =	sadd.s32 s0, s3;
	s0 =	sld [smem:$0x3FAE]  }
0x30: {  	s3 =	sld [smem:$0x3FB1]  }
0x31: {  	[smem:$0x3FBA] =	sst s10  }
0x32: {  	s10 =	sld [smem:$0x3FB8];
	_ =	sdelay $0x3  }
0x33: {  	p0 =	seq.s32 s10, $0x1;
	s10 =	sld [smem:$0x3FBA];
	_ =	sdelay $0x3  }
0x34: {  	[smem:$0x3FBA] =	sst s10  }
0x35: {  	s10 =	sld [smem:$0x3FB9];
	_ =	sdelay $0x3  }
0x36: {  	p1 =	seq.s32 s10, $0x1;
	s10 =	sld [smem:$0x3FBA];
	_ =	sdelay $0x3  }
0x37: {  	[smem:$0x3FBA] =	sst s10  }
0x38: {  	s10 =	sld [smem:$0x3FBB]  }
0x39: {  	_ = 	snop;
	(pc) =	sbr.ind lr, $3  }
0x3a: {  	_ = 	snop  }
0x3b: {  	_ = 	snop  }
0x3c: {  	p2 =	seq.s32 s10, $0x1;
	s10 =	sld [smem:$0x3FBA]  }
0x3d: {  	_ =	shalt  }
0x3e: {  	_ =	shalt  }
0x3f: {  	_ =	shalt  }
0x40: {  	_ =	shalt  }
0x41: {  	_ =	shalt  }
0x42: {  	_ =	shalt  }
0x43: {  	_ =	shalt  }
0x44: {  	_ =	shalt  }
0x45: {  	_ =	shalt  }
0x46: {  	_ =	shalt  }
0x47: {  	_ =	shalt  }
0x48: {  	_ =	shalt  }
0x49: {  	_ =	shalt  }
0x4a: {  	_ =	shalt  }
0x4b: {  	_ =	shalt  }
0x4c: {  	_ =	shalt  }
0x4d: {  	_ =	shalt  }
0x4e: {  	_ =	shalt  }
0x4f: {  	_ =	shalt  }
0x50: {  	_ =	shalt  }
0x51: {  	_ =	shalt  }
0x52: {  	_ =	shalt  }
0x53: {  	_ =	shalt  }
0x54: {  	_ =	shalt  }
0x55: {  	_ =	shalt  }
0x56: {  	_ =	shalt  }
0x57: {  	_ =	shalt  }
0x58: {  	_ =	shalt  }
0x59: {  	_ =	shalt  }
0x5a: {  	_ =	shalt  }
0x5b: {  	_ =	shalt  }
0x5c: {  	_ =	shalt  }
0x5d: {  	_ =	shalt  }
0x5e: {  	_ =	shalt  }
0x5f: {  	_ =	shalt  }
0x60: {  	_ =	shalt  }
0x61: {  	_ =	shalt  }
0x62: {  	_ =	shalt  }
0x63: {  	_ =	shalt  }
0x64: {  	_ =	shalt  }
0x65: {  	_ =	shalt  }
0x66: {  	_ =	shalt  }
0x67: {  	_ =	shalt  }
0x68: {  	_ =	shalt  }
0x69: {  	_ =	shalt  }
0x6a: {  	_ =	shalt  }
0x6b: {  	_ =	shalt  }
0x6c: {  	_ =	shalt  }
0x6d: {  	_ =	shalt  }
0x6e: {  	_ =	shalt  }
0x6f: {  	_ =	shalt  }
0x70: {  	_ =	shalt  }
0x71: {  	_ =	shalt  }
0x72: {  	_ =	shalt  }
0x73: {  	_ =	shalt  }
0x74: {  	_ =	shalt  }
0x75: {  	_ =	shalt  }
0x76: {  	_ =	shalt  }
0x77: {  	_ =	shalt  }
0x78: {  	_ =	shalt  }
0x79: {  	_ =	shalt  }
0x7a: {  	_ =	shalt  }
0x7b: {  	_ =	shalt  }
0x7c: {  	_ =	shalt  }
0x7d: {  	_ =	shalt  }
0x7e: {  	_ =	shalt  }
0x7f: {  	_ =	shalt  }
0x80: {  	_ =	shalt  }
0x81: {  	_ =	shalt  }
0x82: {  	_ =	shalt  }
0x83: {  	_ =	shalt  }
0x84: {  	_ =	shalt  }
0x85: {  	_ =	shalt  }
0x86: {  	_ =	shalt  }
0x87: {  	_ =	shalt  }
.Lfunc_end0:
.L_simem_size_0:
called_computation_lowered:
.L_overlay_start_0:
0x88: {  	s2 =	sld [smem:$0x3FD9]  }
0x89: {  	s3 =	sld [smem:$0x3FFE];
	_ =	sdelay $0x1  }
0x8a: {  	s1 =	srdreg.scid  }
0x8b: {  	s0 =	sand.u32 $0x1, s1  }
0x8c: {  	s17 =	sshll.u32 s0, $0xA;
	s2 =	sadd.s32 s3, s2  }
0x8d: {  	s2 =	sadd.s32 s2, s17  }
0x8e: {  	[smem:$0x3FC6] =	sst s2  }
0x8f: {  	_ = 	snop  }
0x90: {  	s2 =	sld [smem:$0x3FC9]  }
0x91: {  	s18 =	sld [smem:$0x3FC8];
	(tm) =	ssettm $0x1  }
0x92: {  	s4 =	sld [smem:$0x3FFB];
	_ =	sdelay $0x3  }
0x93: {  	_ =	strace s4  }
0x94: {  	s4 =	sld [smem:$0x3FFC];
	_ =	sdelay $0x3  }
0x95: {  	_ =	strace s4  }
0x96: {  	s4 =	sld [smem:$0x3FFD];
	_ =	sdelay $0x3  }
0x97: {  	_ =	strace s4  }
0x98: {  	_ =	strace $0x8FFFFFFF  }
0x99: {  	s19 =	sld [smem:$0x3FDB];
	_ =	sdelay $0x1  }
0x9a: {  	s5 =	simm.s32 $_scs_section_size  }
0x9b: {  	s6 =	simm.s32 $_size__tile_overlayer_lowered;
	s7 =	simm.s32 $_tile_overlayer_lowered  }
0x9c: {  	s22 =	simm.s32 $0x1BFF;
	s21 =	sshll.u32 s7, $0x1;
	s4 =	sadd.s32 s5, s19  }
0x9d: {  	s8 =	simm.s32 $0x0;
	s20 =	sshll.u32 s6, $0x1;
	s6 =	sadd.s32 s21, s4  }
0x9e: {  	[timem:s8], [sflag:s22] =	dma.local [hbm:s6], s20  }
0x9f: {  	_ =	swait.ge [sflag:s22], s20  }
0xa0: {  	s5 =	ssub.s32 $0x0, s20;
	[sflag:s22] =	ssyncset.done $0x0  }
0xa1: {  	[sflag:s22] =	ssyncadd.s32 s5;
	_ =	sdelay $0x1  }
0xa2: {  	s23 =	simm.s32 $0x1B8B  }
0xa3: {  	_ =	swait.ge [sflag:s23], $0x1  }
0xa4: {  	[sflag:s23] =	ssyncset.done $0x0  }
0xa5: {  	s25 =	simm.s32 $0x1B8E;
	s24 =	sld [smem:$0x3FFE];
	[sflag:s23] =	ssyncadd.s32 $0xFFFFFFFF  }
0xa6: {  	s26 =	simm.s32 $execute0_lowered;
	[smem:$0x3FD2] =	sst s25  }
0xa7: {  	s6 =	sshll.u32 s26, $0x1;
	_ =	strace $0x80000046;
	[dreg:$0x1] =	wrdreg $0xFFFFFFFF  }
0xa8: {  	s28 =	simm.s32 $_size_execute0_lowered;
	s4 =	sadd.s32 s4, s6;
	[dreg:$0x0] =	wrdreg $0x0  }
0xa9: {  	s6 =	sshll.u32 s28, $0x1;
	[dreg:$0x2] =	wrdreg s4  }
0xaa: {  	[dreg:$0x3] =	wrdreg s6  }
0xab: {  	[dreg:$0x4] =	wrdreg $0xC0  }
0xac: {  	_ =	task [dreg:s8], $0x5FFFF  }
0xad: {  	[dreg:$0x1] =	wrdreg $0xFFFFFFFF  }
0xae: {  	[dreg:$0x0] =	wrdreg $0x60  }
0xaf: {  	[dreg:$0x2] =	wrdreg s2  }
0xb0: {  	[dreg:$0x3] =	wrdreg s18  }
0xb1: {  	[dreg:$0x4] =	wrdreg s24  }
0xb2: {  	[dreg:$0x5] =	wrdreg $0xA2000  }
0xb3: {  	[dreg:$0x6] =	wrdreg $0x9  }
0xb4: {  	_ =	task.clear_ibuf [dreg:s8], $0x7FFFF;
	_ =	strace $0x90000046  }
0xb5: {  	s29 =	simm.s32 $0x9;
	_ =	strace $0x80000048  }
0xb6: {  	_ =	swait.ge [sflag:s29], $0x1  }
0xb7: {  	[sflag:s29] =	ssyncadd.s32 $0xFFFFFFFF  }
0xb8: {  	_ =	strace $0x90000048  }
0xb9: {  	_ =	sfence  }
0xba: {  	s30 =	sld [smem:$0x0];
	_ =	sdelay $0x2  }
0xbb: {  	s31 =	sshll.u32 s1, $0xD;
	s1 =	sshrl.u32 s1, $0x2  }
0xbc: {  	s3 =	sand.u32 $0x4000, s31;
	s1 =	sadd.s32 s1, s30  }
0xbd: {  	s0 =	sor.u32 s3, s0;
	s1 =	sshll.u32 s1, $0x11  }
0xbe: {  	s0 =	sor.u32 s1, s0  }
0xbf: {  	s0 =	sadd.s32 $0x8F2B, s0  }
0xc0: {  	[sflag:s0] =	ssyncadd.remote.s32 $0x1  }
0xc1: {  	_ =	sfence.sel $0xFFFF  }
0xc2: {  	[dreg:$0x0] =	wrdreg $0xFFFFFFFF;
	(pc) =	sbr.abs _section_cstart, $3  }
0xc3: {  	[dreg:$0x1] =	wrdreg $0xFFFFFFFF  }
0xc4: {  	_ =	task.clear_ibuf [dreg:s8], $0x2FFFF;
	_ =	strace $0x9FFFFFFF  }
0xc5: {  	(tm) =	ssettm $0x7FFFFFFF  }
tec
execute0_lowered:
.L_overlay_start_1:
0x0: {  	(tag) =	ssettag $0x1  }
0x1: {  	s1 =	rddreg [dreg:$0x0]  }
0x2: {  	s2 =	rddreg [dreg:$0x1]  }
0x3: {  	s0 =	rddreg [dreg:$0x2];
	s3 =	srdreg.scid  }
0x4: {  	s4 =	rddreg [dreg:$0x3];
	s10 =	stileid.u32  }
0x5: {  	s5 =	simm.s32 $0x0;
	s29 =	simm.s32 $0x7800;
	s30 =	simm.s32 $0x9  }
0x6: {  	s31 =	simm.s32 $0xA180;
	s3 =	sand.u32 $0x1, s3;
	s14 =	smul.u32 $0x4F000, s10  }
0x7: {  	s28 =	simm.s32 $0x5;
	s26 =	smul.u32 $0x2780, s10;
	s6 =	sshll.u32 s3, $0x4  }
0x8: {  	[smem:$0x7FF] =	sst s5;
	s7 =	smul.u32 $0x27800, s3;
	s8 =	sor.u32 s10, s6  }
0x9: {  	s3 =	ssub.s32 $0x2, s3;
	_ =	strace $0x80000047;
	s6 =	smul.u32 $0x2710, s8  }
0xa: {  	s9 =	sshrl.u32 s3, $0x1;
	s10 =	simm.s32 $0x0;
	s8 =	smul.u32 $0x27100, s8  }
0xb: {  	s0 =	sadd.s32 s7, s0;
	s3 =	ssub.s32 s3, s9;
	s9 =	sshrl.u32 s14, $0x2  }
0xc: {  	s0 =	sadd.s32 $0x600, s0;
	s11 =	sshrl.u32 s6, $0x3;
	s8 =	sadd.s32 s1, s8  }
0xd: {  	s12 =	sadd.s32 $0x50, s6;
	s22 =	sadd.s32 $0x140, s6;
	[dreg:$0x8] =	wrdreg s8  }
0xe: {  	s15 =	sadd.s32 $0xA0, s6;
	s24 =	sadd.s32 $0x190, s6;
	[dreg:$0x5] =	wrdreg s22  }
0xf: {  	s25 =	sadd.s32 $0x1E0, s6;
	s7 =	sadd.s32 s2, s11;
	[dreg:$0x6] =	wrdreg s24  }
0x10: {  	s13 =	sshll.u32 s12, $0x4;
	s16 =	sshll.u32 s15, $0x4;
	[dreg:$0x7] =	wrdreg s25  }
0x11: {  	[dreg:$0x9] =	wrdreg s7;
	s7 =	sshrl.u32 s12, $0x3;
	s8 =	sadd.s32 s1, s13  }
0x12: {  	s22 =	simm.s32 $0xA000;
	[dreg:$0xa] =	wrdreg s8;
	s7 =	sadd.s32 s2, s7  }
0x13: {  	s13 =	sadd.s32 s9, s4;
	s8 =	sadd.s32 s1, s16;
	[dreg:$0xb] =	wrdreg s7  }
0x14: {  	s24 =	sadd.s32 s26, s0;
	s17 =	sadd.s32 $0x2800, s13;
	[dreg:$0xc] =	wrdreg s8  }
0x15: {  	s25 =	simm.s32 $0xA080;
	s18 =	sadd.s32 $0x5000, s13;
	[dreg:$0xe] =	wrdreg s17  }
0x16: {  	s0 =	simm.s32 $0x1;
	s19 =	sadd.s32 $0x7800, s13;
	[dreg:$0xf] =	wrdreg s18  }
0x17: {  	s26 =	simm.s32 $0x50;
	s20 =	sadd.s32 $0xA000, s13;
	[dreg:$0x10] =	wrdreg s19  }
0x18: {  	s9 =	simm.s32 $0x8;
	s21 =	sadd.s32 $0xC800, s13;
	[dreg:$0x11] =	wrdreg s20  }
0x19: {  	s23 =	sadd.s32 $0xF000, s13;
	s7 =	sshrl.u32 s15, $0x3;
	[dreg:$0x12] =	wrdreg s21  }
0x1a: {  	[dreg:$0x13] =	wrdreg s23;
	s20 =	sadd.s32 $0x11800, s13;
	s21 =	smax.u32 s3, $0x1  }
0x1b: {  	s23 =	simm.s32 $0x2800;
	s3 =	simm.s32 $0x2;
	s7 =	sadd.s32 s2, s7  }
0x1c: {  	v0 =	vimm.f32 $0.0e+00;
	s8 =	simm.s32 $0x4;
	[dreg:$0xd] =	wrdreg s7;
	s7 =	simm.s32 $0x6  }
.LBB2_1:
0x1d: {  	s11 =	rddreg [dreg:$0x8]  }
0x1e: {  	[tilespmem:s5], [sflag:$0x1] =	stream.linear.gather [hbm4b:s11+s5], $0x2800, $0x38;
	[tilespmem:$0x1DE00] =	vst v63  }
0x1f: {  	s14 =	rddreg [dreg:$0x9]  }
0x20: {  	[tilespmem:s22], [sflag:$0x1] =	stream.linear.gather [hbm4b:s14+s5], $0x50, $0x38;
	[tilespmem:$0x1DE00] =	vst v63  }
0x21: {  	s15 =	rddreg [dreg:$0xa]  }
0x22: {  	[tilespmem:s23], [sflag:$0x2] =	stream.linear.gather [hbm4b:s15+s5], $0x2800, $0x38;
	[tilespmem:$0x1DE00] =	vst v63  }
0x23: {  	s16 =	rddreg [dreg:$0xb]  }
0x24: {  	[tilespmem:s25], [sflag:$0x2] =	stream.linear.gather [hbm4b:s16+s5], $0x50, $0x38;
	[tilespmem:$0x1DE00] =	vst v63  }
0x25: {  	s17 =	rddreg [dreg:$0xc];
	s12 =	simm.s32 $0x5000  }
0x26: {  	[tilespmem:s12], [sflag:$0x3] =	stream.linear.gather [hbm4b:s17+s5], $0x2800, $0x38;
	[tilespmem:$0x1DE00] =	vst v63  }
0x27: {  	s18 =	rddreg [dreg:$0xd];
	s19 =	simm.s32 $0xA100;
	s11 =	simm.s32 $0x7880  }
0x28: {  	[tilespmem:s19], [sflag:$0x3] =	stream.linear.gather [hbm4b:s18+s5], $0x50, $0x38;
	[tilespmem:$0x1DE00] =	vst v63  }
0x29: {  	[tilespmem:s11+$0xFFFFFF80] =	vst v0  }
0x2a: {  	[tilespmem:s11+$0x70] =	vst v0  }
0x2b: {  	[tilespmem:s11+$0x60] =	vst v0  }
0x2c: {  	[tilespmem:s11+$0x50] =	vst v0  }
0x2d: {  	[tilespmem:s11+$0x40] =	vst v0  }
0x2e: {  	[tilespmem:s11+$0x30] =	vst v0  }
0x2f: {  	[tilespmem:s11+$0x20] =	vst v0  }
0x30: {  	[tilespmem:s11+$0x10] =	vst v0  }
0x31: {  	[tilespmem:s11+$0x0] =	vst v0  }
0x32: {  	[tilespmem:s11+$0xFFFFFFF0] =	vst v0  }
0x33: {  	[tilespmem:s11+$0xFFFFFFE0] =	vst v0  }
0x34: {  	[tilespmem:s11+$0xFFFFFFD0] =	vst v0  }
0x35: {  	[tilespmem:s11+$0xFFFFFFC0] =	vst v0  }
0x36: {  	[tilespmem:s11+$0xFFFFFFB0] =	vst v0  }
0x37: {  	s12 =	simm.s32 $0x0;
	[tilespmem:s11+$0xFFFFFFA0] =	vst v0  }
.LBB2_2:
0x38: {  	s12 =	sadd.s32 $0x2, s12;
	[tilespmem:s11+$0xFFFFFF90] =	vst v0;
	s11 =	sadd.s32 $0x100, s11  }
0x39: {  	[tilespmem:s11+$0xFFFFFF80] =	vst v0;
	p0 =	slt.u32 s12, $0x4E  }
0x3a: {  	[tilespmem:s11+$0x70] =	vst v0  }
0x3b: {  	[tilespmem:s11+$0x60] =	vst v0  }
0x3c: {  	[tilespmem:s11+$0x50] =	vst v0  }
0x3d: {  	[tilespmem:s11+$0x40] =	vst v0  }
0x3e: {  	[tilespmem:s11+$0x30] =	vst v0  }
0x3f: {  	[tilespmem:s11+$0x20] =	vst v0  }
0x40: {  	[tilespmem:s11+$0x10] =	vst v0  }
0x41: {  	[tilespmem:s11+$0x0] =	vst v0  }
0x42: {  	[tilespmem:s11+$0xFFFFFFF0] =	vst v0  }
.Ltmp0:
0x43: {  	[tilespmem:s11+$0xFFFFFFE0] =	vst v0;
	(pc) =	sbr.rel @p0 .LBB2_2-.Ltmp0, $4  }
0x44: {  	[tilespmem:s11+$0xFFFFFFD0] =	vst v0  }
0x45: {  	[tilespmem:s11+$0xFFFFFFC0] =	vst v0  }
0x46: {  	[tilespmem:s11+$0xFFFFFFB0] =	vst v0  }
0x47: {  	[tilespmem:s11+$0xFFFFFFA0] =	vst v0  }
0x48: {  	[tilespmem:s11+$0xFFFFFF90] =	vst v0  }
0x49: {  	[spmem:s13] =	stream.linear.scatter [tilespmem:s29], [sflag:$0x9], $0x2800, $0x38;
	[tilespmem:$0x1DE00] =	vst v63  }
0x4a: {  	_ =	swait.ge [sflag:s30], $0x2800  }
0x4b: {  	[sflag:s30] =	ssyncset.done $0x0  }
0x4c: {  	s18 =	rddreg [dreg:$0xe];
	[sflag:s30] =	ssyncadd.s32 $0xFFFFD800  }
0x4d: {  	[spmem:s18] =	stream.linear.scatter [tilespmem:s29], [sflag:$0x9], $0x2800, $0x38;
	[tilespmem:$0x1DE00] =	vst v63  }
0x4e: {  	_ =	swait.ge [sflag:s30], $0x2800  }
0x4f: {  	[sflag:s30] =	ssyncset.done $0x0  }
0x50: {  	s19 =	rddreg [dreg:$0xf];
	[sflag:s30] =	ssyncadd.s32 $0xFFFFD800  }
0x51: {  	[spmem:s19] =	stream.linear.scatter [tilespmem:s29], [sflag:$0x9], $0x2800, $0x38;
	[tilespmem:$0x1DE00] =	vst v63  }
0x52: {  	_ =	swait.ge [sflag:s30], $0x2800  }
0x53: {  	[sflag:s30] =	ssyncset.done $0x0  }
0x54: {  	s12 =	rddreg [dreg:$0x10];
	[sflag:s30] =	ssyncadd.s32 $0xFFFFD800  }
0x55: {  	[spmem:s12] =	stream.linear.scatter [tilespmem:s29], [sflag:$0x9], $0x2800, $0x38;
	[tilespmem:$0x1DE00] =	vst v63  }
0x56: {  	_ =	swait.ge [sflag:s30], $0x2800  }
0x57: {  	[sflag:s30] =	ssyncset.done $0x0  }
0x58: {  	s14 =	rddreg [dreg:$0x11];
	[sflag:s30] =	ssyncadd.s32 $0xFFFFD800  }
0x59: {  	[spmem:s14] =	stream.linear.scatter [tilespmem:s29], [sflag:$0x9], $0x2800, $0x38;
	[tilespmem:$0x1DE00] =	vst v63  }
0x5a: {  	_ =	swait.ge [sflag:s30], $0x2800  }
0x5b: {  	[sflag:s30] =	ssyncset.done $0x0  }
0x5c: {  	s15 =	rddreg [dreg:$0x12];
	[sflag:s30] =	ssyncadd.s32 $0xFFFFD800  }
0x5d: {  	[spmem:s15] =	stream.linear.scatter [tilespmem:s29], [sflag:$0x9], $0x2800, $0x38;
	[tilespmem:$0x1DE00] =	vst v63  }
0x5e: {  	_ =	swait.ge [sflag:s30], $0x2800  }
0x5f: {  	[sflag:s30] =	ssyncset.done $0x0  }
0x60: {  	s16 =	rddreg [dreg:$0x13];
	[sflag:s30] =	ssyncadd.s32 $0xFFFFD800  }
0x61: {  	[spmem:s16] =	stream.linear.scatter [tilespmem:s29], [sflag:$0x9], $0x2800, $0x38;
	[tilespmem:$0x1DE00] =	vst v63  }
0x62: {  	_ =	swait.ge [sflag:s30], $0x2800  }
0x63: {  	[sflag:s30] =	ssyncset.done $0x0  }
0x64: {  	[sflag:s30] =	ssyncadd.s32 $0xFFFFD800  }
0x65: {  	[spmem:s20] =	stream.linear.scatter [tilespmem:s29], [sflag:$0x9], $0x2400, $0x38;
	[tilespmem:$0x1DE00] =	vst v63  }
0x66: {  	_ =	swait.ge [sflag:s30], $0x2400  }
0x67: {  	p0 =	por $0x1, $0x1;
	[sflag:s30] =	ssyncset.done $0x0  }
0x68: {  	s11 =	simm.s32 @!p0 $0xF0;
	[sflag:s30] =	ssyncadd.s32 $0xFFFFDC00  }
0x69: {  	s11 =	simm.s32 @p0 $0xF0;
	s12 =	simm.s32 @!p0 $0x8;
	[bflag:$0x0] =	sbarrier.arrive $0xFFFF  }
0x6a: {  	s11 =	sadd.s32 s6, s11;
	_ =	swait.ge @!p0 [sflag:s12], $0x2800  }
0x6b: {  	s14 =	sshll.u32 s11, $0x4;
	[sflag:s12] =	ssyncset.done @!p0 $0x0  }
0x6c: {  	s11 =	sshrl.u32 s11, $0x3;
	s17 =	sadd.s32 s1, s14;
	[sflag:s12] =	ssyncadd.s32 @!p0 $0xFFFFD800  }
0x6d: {  	[tilespmem:s29], [sflag:$0x4] =	stream.linear.gather [hbm4b:s17+s5], $0x2800, $0x38;
	[tilespmem:$0x1DE00] =	vst v63  }
0x6e: {  	s11 =	sadd.s32 s2, s11  }
0x6f: {  	[tilespmem:s31], [sflag:$0x4] =	stream.linear.gather [hbm4b:s11+s5], $0x50, $0x38;
	[tilespmem:$0x1DE00] =	vst v63  }
0x70: {  	_ =	swait.ge [sflag:s0], $0x2800  }
0x71: {  	[sflag:s0] =	ssyncset.done $0x0  }
0x72: {  	[sflag:s0] =	ssyncadd.s32 $0xFFFFD800  }
0x73: {  	_ =	swait.ge [sflag:s0], $0x50  }
0x74: {  	[sflag:s0] =	ssyncset.done $0x0  }
0x75: {  	[sflag:s0] =	ssyncadd.s32 $0xFFFFFFB0  }
0x76: {  	[spmem:s4] =	stream.indirect.scatter.add.f32 [tilespmem:s5], [sflag:$0x5], $0x80, s22, s26, $0xb8;
	[tilespmem:$0x1DE00] =	vst v63  }
0x77: {  	s12 =	simm.s32 $0x0;
	_ =	swait.ge [sflag:s28], $0x2800  }
0x78: {  	s12 =	simm.s32 @p0 $0x0;
	s18 =	rddreg [dreg:$0x5]  }
0x79: {  	s11 =	sadd.s32 s12, s18  }
0x7a: {  	[sflag:s28] =	ssyncset.done $0x0;
	s19 =	sshll.u32 s11, $0x4  }
0x7b: {  	[sflag:s28] =	ssyncadd.s32 $0xFFFFD800;
	s11 =	sshrl.u32 s11, $0x3;
	s14 =	sadd.s32 s1, s19  }
0x7c: {  	[tilespmem:s5], [sflag:$0x1] =	stream.linear.gather [hbm4b:s14+s5], $0x2800, $0x38;
	[tilespmem:$0x1DE00] =	vst v63  }
0x7d: {  	s11 =	sadd.s32 s2, s11  }
0x7e: {  	[tilespmem:s22], [sflag:$0x1] =	stream.linear.gather [hbm4b:s11+s5], $0x50, $0x38;
	[tilespmem:$0x1DE00] =	vst v63  }
0x7f: {  	_ =	swait.ge [sflag:s3], $0x2800  }
0x80: {  	[sflag:s3] =	ssyncset.done $0x0  }
0x81: {  	[sflag:s3] =	ssyncadd.s32 $0xFFFFD800  }
0x82: {  	_ =	swait.ge [sflag:s3], $0x50  }
0x83: {  	[sflag:s3] =	ssyncset.done $0x0  }
0x84: {  	[sflag:s3] =	ssyncadd.s32 $0xFFFFFFB0  }
0x85: {  	[spmem:s4] =	stream.indirect.scatter.add.f32 [tilespmem:s23], [sflag:$0x6], $0x80, s25, s26, $0xb8;
	[tilespmem:$0x1DE00] =	vst v63  }
0x86: {  	_ =	swait.ge [sflag:s7], $0x2800  }
0x87: {  	p0 =	por $0x0, $0x0;
	[sflag:s7] =	ssyncset.done $0x0  }
0x88: {  	s11 =	simm.s32 @p0 $0x3;
	[sflag:s7] =	ssyncadd.s32 $0xFFFFD800  }
0x89: {  	_ =	swait.ge @p0 [sflag:s11], $0x2800  }
0x8a: {  	[sflag:s11] =	ssyncset.done @p0 $0x0  }
0x8b: {  	[sflag:s11] =	ssyncadd.s32 @p0 $0xFFFFD800  }
0x8c: {  	_ =	swait.ge @p0 [sflag:s11], $0x50  }
0x8d: {  	s15 =	simm.s32 @p0 $0x7;
	s16 =	simm.s32 @p0 $0xA100;
	[sflag:s11] =	ssyncset.done @p0 $0x0  }
0x8e: {  	s14 =	simm.s32 @p0 $0x5000;
	[sflag:s11] =	ssyncadd.s32 @p0 $0xFFFFFFB0;
	s11 =	simm.s32 @p0 $0x50  }
0x8f: {  	[spmem:s4] =	stream.indirect.scatter.add.f32 @p0 [tilespmem:s14], [sflag:$0x7], $0x80, s16, s11, $0xb8;
	[tilespmem:$0x1DE00] =	vst v63  }
0x90: {  	_ =	swait.ge @p0 [sflag:s15], $0x2800  }
0x91: {  	s11 =	rddreg [dreg:$0x6]  }
0x92: {  	[sflag:s15] =	ssyncset.done @p0 $0x0;
	s11 =	sadd.s32 @!p0 s12, s11  }
0x93: {  	s14 =	simm.s32 @!p0 $0x2800;
	[sflag:s15] =	ssyncadd.s32 @p0 $0xFFFFD800;
	s16 =	sshll.u32 @!p0 s11, $0x4  }
0x94: {  	s11 =	sshrl.u32 @!p0 s11, $0x3;
	s15 =	sadd.s32 @!p0 s1, s16;
	s16 =	simm.s32 @!p0 $0x0  }
0x95: {  	[tilespmem:s14], [sflag:$0x2] =	stream.linear.gather @!p0 [hbm4b:s15+s16], $0x2800, $0x38;
	[tilespmem:$0x1DE00] =	vst v63  }
0x96: {  	s11 =	sadd.s32 @!p0 s2, s11;
	s14 =	simm.s32 @!p0 $0xA080;
	s15 =	simm.s32 @!p0 $0x3  }
0x97: {  	[tilespmem:s14], [sflag:$0x2] =	stream.linear.gather @!p0 [hbm4b:s11+s16], $0x50, $0x38;
	[tilespmem:$0x1DE00] =	vst v63  }
0x98: {  	_ =	swait.ge @!p0 [sflag:s15], $0x2800  }
0x99: {  	[sflag:s15] =	ssyncset.done @!p0 $0x0  }
0x9a: {  	[sflag:s15] =	ssyncadd.s32 @!p0 $0xFFFFD800  }
0x9b: {  	_ =	swait.ge @!p0 [sflag:s15], $0x50  }
0x9c: {  	s17 =	simm.s32 @!p0 $0xA100;
	s11 =	simm.s32 @!p0 $0x5000;
	[sflag:s15] =	ssyncset.done @!p0 $0x0  }
0x9d: {  	s14 =	simm.s32 @!p0 $0x7;
	[sflag:s15] =	ssyncadd.s32 @!p0 $0xFFFFFFB0;
	s15 =	simm.s32 @!p0 $0x50  }
0x9e: {  	[spmem:s4] =	stream.indirect.scatter.add.f32 @!p0 [tilespmem:s11], [sflag:$0x7], $0x80, s17, s15, $0xb8;
	[tilespmem:$0x1DE00] =	vst v63  }
0x9f: {  	_ =	swait.ge @!p0 [sflag:s14], $0x2800  }
0xa0: {  	s15 =	rddreg [dreg:$0x7]  }
0xa1: {  	s12 =	sadd.s32 @!p0 s12, s15  }
0xa2: {  	[sflag:s14] =	ssyncset.done @!p0 $0x0;
	s15 =	sshll.u32 @!p0 s12, $0x4  }
0xa3: {  	[sflag:s14] =	ssyncadd.s32 @!p0 $0xFFFFD800;
	s14 =	sadd.s32 @!p0 s1, s15  }
0xa4: {  	[tilespmem:s11], [sflag:$0x3] =	stream.linear.gather @!p0 [hbm4b:s14+s16], $0x2800, $0x38;
	[tilespmem:$0x1DE00] =	vst v63  }
0xa5: {  	s11 =	sshrl.u32 @!p0 s12, $0x3  }
0xa6: {  	s11 =	sadd.s32 @!p0 s2, s11  }
0xa7: {  	[tilespmem:s17], [sflag:$0x3] =	stream.linear.gather @!p0 [hbm4b:s11+s16], $0x50, $0x38;
	[tilespmem:$0x1DE00] =	vst v63  }
0xa8: {  	_ =	swait.ge [sflag:s8], $0x2800  }
0xa9: {  	p1 =	por $0x0, $0x0;
	[sflag:s8] =	ssyncset.done $0x0  }
0xaa: {  	s14 =	simm.s32 $0x140;
	s12 =	simm.s32 $0x280;
	[sflag:s8] =	ssyncadd.s32 $0xFFFFD800  }
.LBB2_4:
0xab: {  	_ =	swait.ge [sflag:s8], $0x50  }
0xac: {  	s11 =	sadd.s32 @!p1 $0xF0, s14;
	[sflag:s8] =	ssyncset.done $0x0  }
0xad: {  	s16 =	simm.s32 @!p1 $0x8;
	s11 =	simm.s32 @p1 $0xF0;
	[sflag:s8] =	ssyncadd.s32 $0xFFFFFFB0  }
0xae: {  	[spmem:s4] =	stream.indirect.scatter.add.f32 [tilespmem:s29], [sflag:$0x8], $0x80, s31, s26, $0xb8;
	[tilespmem:$0x1DE00] =	vst v63  }
0xaf: {  	s11 =	sadd.s32 s6, s11;
	_ =	swait.ge @!p1 [sflag:s16], $0x2800  }
0xb0: {  	s17 =	sshll.u32 s11, $0x4;
	[sflag:s16] =	ssyncset.done @!p1 $0x0  }
0xb1: {  	s11 =	sshrl.u32 s11, $0x3;
	s17 =	sadd.s32 s1, s17;
	[sflag:s16] =	ssyncadd.s32 @!p1 $0xFFFFD800  }
0xb2: {  	[tilespmem:s29], [sflag:$0x4] =	stream.linear.gather [hbm4b:s17+s5], $0x2800, $0x38;
	[tilespmem:$0x1DE00] =	vst v63  }
0xb3: {  	s11 =	sadd.s32 s2, s11  }
0xb4: {  	[tilespmem:s31], [sflag:$0x4] =	stream.linear.gather [hbm4b:s11+s5], $0x50, $0x38;
	[tilespmem:$0x1DE00] =	vst v63  }
0xb5: {  	_ =	swait.ge [sflag:s0], $0x2800  }
0xb6: {  	[sflag:s0] =	ssyncset.done $0x0  }
0xb7: {  	[sflag:s0] =	ssyncadd.s32 $0xFFFFD800  }
0xb8: {  	_ =	swait.ge [sflag:s0], $0x50  }
0xb9: {  	[sflag:s0] =	ssyncset.done $0x0  }
0xba: {  	[sflag:s0] =	ssyncadd.s32 $0xFFFFFFB0  }
0xbb: {  	[spmem:s4] =	stream.indirect.scatter.add.f32 [tilespmem:s5], [sflag:$0x5], $0x80, s22, s26, $0xb8;
	[tilespmem:$0x1DE00] =	vst v63  }
0xbc: {  	s11 =	smov.u32 s14;
	_ =	swait.ge [sflag:s28], $0x2800  }
0xbd: {  	s11 =	simm.s32 @p1 $0x0;
	s18 =	rddreg [dreg:$0x5]  }
0xbe: {  	s16 =	sadd.s32 s11, s18  }
0xbf: {  	[sflag:s28] =	ssyncset.done $0x0;
	s19 =	sshll.u32 s16, $0x4  }
0xc0: {  	[sflag:s28] =	ssyncadd.s32 $0xFFFFD800;
	s16 =	sshrl.u32 s16, $0x3;
	s17 =	sadd.s32 s1, s19  }
0xc1: {  	[tilespmem:s5], [sflag:$0x1] =	stream.linear.gather [hbm4b:s17+s5], $0x2800, $0x38;
	[tilespmem:$0x1DE00] =	vst v63  }
0xc2: {  	s16 =	sadd.s32 s2, s16  }
0xc3: {  	[tilespmem:s22], [sflag:$0x1] =	stream.linear.gather [hbm4b:s16+s5], $0x50, $0x38;
	[tilespmem:$0x1DE00] =	vst v63  }
0xc4: {  	_ =	swait.ge [sflag:s3], $0x2800  }
0xc5: {  	[sflag:s3] =	ssyncset.done $0x0  }
0xc6: {  	[sflag:s3] =	ssyncadd.s32 $0xFFFFD800  }
0xc7: {  	_ =	swait.ge [sflag:s3], $0x50  }
0xc8: {  	[sflag:s3] =	ssyncset.done $0x0  }
0xc9: {  	[sflag:s3] =	ssyncadd.s32 $0xFFFFFFB0  }
0xca: {  	[spmem:s4] =	stream.indirect.scatter.add.f32 [tilespmem:s23], [sflag:$0x6], $0x80, s25, s26, $0xb8;
	[tilespmem:$0x1DE00] =	vst v63  }
0xcb: {  	_ =	swait.ge [sflag:s7], $0x2800  }
0xcc: {  	s15 =	smov.u32 s12;
	p1 =	seq.s32 s14, $0x2580;
	[sflag:s7] =	ssyncset.done $0x0  }
0xcd: {  	s14 =	smov.u32 s15;
	s15 =	simm.s32 @p1 $0x3;
	[sflag:s7] =	ssyncadd.s32 $0xFFFFD800  }
0xce: {  	_ =	swait.ge @p1 [sflag:s15], $0x2800  }
0xcf: {  	[sflag:s15] =	ssyncset.done @p1 $0x0  }
0xd0: {  	[sflag:s15] =	ssyncadd.s32 @p1 $0xFFFFD800  }
0xd1: {  	_ =	swait.ge @p1 [sflag:s15], $0x50  }
0xd2: {  	s18 =	simm.s32 @p1 $0xA100;
	s17 =	simm.s32 @p1 $0x7;
	[sflag:s15] =	ssyncset.done @p1 $0x0  }
0xd3: {  	s16 =	simm.s32 @p1 $0x5000;
	[sflag:s15] =	ssyncadd.s32 @p1 $0xFFFFFFB0;
	s15 =	simm.s32 @p1 $0x50  }
0xd4: {  	[spmem:s4] =	stream.indirect.scatter.add.f32 @p1 [tilespmem:s16], [sflag:$0x7], $0x80, s18, s15, $0xb8;
	[tilespmem:$0x1DE00] =	vst v63  }
0xd5: {  	_ =	swait.ge @p1 [sflag:s17], $0x2800  }
0xd6: {  	s15 =	rddreg [dreg:$0x6]  }
0xd7: {  	[sflag:s17] =	ssyncset.done @p1 $0x0;
	s15 =	sadd.s32 @!p1 s11, s15  }
0xd8: {  	s16 =	simm.s32 @!p1 $0x2800;
	[sflag:s17] =	ssyncadd.s32 @p1 $0xFFFFD800;
	s18 =	sshll.u32 @!p1 s15, $0x4  }
0xd9: {  	s15 =	sshrl.u32 @!p1 s15, $0x3;
	s17 =	sadd.s32 @!p1 s1, s18;
	s18 =	simm.s32 @!p1 $0x0  }
0xda: {  	[tilespmem:s16], [sflag:$0x2] =	stream.linear.gather @!p1 [hbm4b:s17+s18], $0x2800, $0x38;
	[tilespmem:$0x1DE00] =	vst v63  }
0xdb: {  	s15 =	sadd.s32 @!p1 s2, s15;
	s16 =	simm.s32 @!p1 $0xA080;
	s17 =	simm.s32 @!p1 $0x3  }
0xdc: {  	[tilespmem:s16], [sflag:$0x2] =	stream.linear.gather @!p1 [hbm4b:s15+s18], $0x50, $0x38;
	[tilespmem:$0x1DE00] =	vst v63  }
0xdd: {  	_ =	swait.ge @!p1 [sflag:s17], $0x2800  }
0xde: {  	[sflag:s17] =	ssyncset.done @!p1 $0x0  }
0xdf: {  	[sflag:s17] =	ssyncadd.s32 @!p1 $0xFFFFD800  }
0xe0: {  	_ =	swait.ge @!p1 [sflag:s17], $0x50  }
0xe1: {  	s19 =	simm.s32 @!p1 $0xA100;
	s15 =	simm.s32 @!p1 $0x5000;
	[sflag:s17] =	ssyncset.done @!p1 $0x0  }
0xe2: {  	s16 =	simm.s32 @!p1 $0x7;
	[sflag:s17] =	ssyncadd.s32 @!p1 $0xFFFFFFB0;
	s17 =	simm.s32 @!p1 $0x50  }
0xe3: {  	[spmem:s4] =	stream.indirect.scatter.add.f32 @!p1 [tilespmem:s15], [sflag:$0x7], $0x80, s19, s17, $0xb8;
	[tilespmem:$0x1DE00] =	vst v63  }
0xe4: {  	_ =	swait.ge @!p1 [sflag:s16], $0x2800  }
0xe5: {  	s17 =	rddreg [dreg:$0x7]  }
0xe6: {  	s12 =	sadd.s32 $0x140, s12;
	s11 =	sadd.s32 @!p1 s11, s17  }
0xe7: {  	p0 =	sne.s32 s12, $0x26C0;
	[sflag:s16] =	ssyncset.done @!p1 $0x0;
	s17 =	sshll.u32 @!p1 s11, $0x4  }
0xe8: {  	[sflag:s16] =	ssyncadd.s32 @!p1 $0xFFFFD800;
	s11 =	sshrl.u32 @!p1 s11, $0x3;
	s16 =	sadd.s32 @!p1 s1, s17  }
0xe9: {  	[tilespmem:s15], [sflag:$0x3] =	stream.linear.gather @!p1 [hbm4b:s16+s18], $0x2800, $0x38;
	[tilespmem:$0x1DE00] =	vst v63  }
.Ltmp1:
0xea: {  	s11 =	sadd.s32 @!p1 s2, s11;
	(pc) =	sbr.rel @p0 .LBB2_4-.Ltmp1, $4  }
0xeb: {  	[tilespmem:s19], [sflag:$0x3] =	stream.linear.gather @!p1 [hbm4b:s11+s18], $0x50, $0x38;
	[tilespmem:$0x1DE00] =	vst v63  }
0xec: {  	_ =	swait.ge [sflag:s8], $0x2800  }
0xed: {  	[sflag:s8] =	ssyncset.done $0x0  }
0xee: {  	p1 =	seq.s32 s14, $0x0;
	[sflag:s8] =	ssyncadd.s32 $0xFFFFD800  }
0xef: {  	_ =	swait.ge [sflag:s8], $0x50  }
0xf0: {  	s11 =	sadd.s32 @!p1 $0xF0, s14;
	[sflag:s8] =	ssyncset.done $0x0  }
0xf1: {  	s12 =	simm.s32 @!p1 $0x8;
	s11 =	simm.s32 @p1 $0xF0;
	[sflag:s8] =	ssyncadd.s32 $0xFFFFFFB0  }
0xf2: {  	[spmem:s4] =	stream.indirect.scatter.add.f32 [tilespmem:s29], [sflag:$0x8], $0x80, s31, s26, $0xb8;
	[tilespmem:$0x1DE00] =	vst v63  }
0xf3: {  	s11 =	sadd.s32 s6, s11;
	_ =	swait.ge @!p1 [sflag:s12], $0x2800  }
0xf4: {  	s15 =	sshll.u32 s11, $0x4;
	[sflag:s12] =	ssyncset.done @!p1 $0x0  }
0xf5: {  	s11 =	sshrl.u32 s11, $0x3;
	s15 =	sadd.s32 s1, s15;
	[sflag:s12] =	ssyncadd.s32 @!p1 $0xFFFFD800  }
0xf6: {  	[tilespmem:s29], [sflag:$0x4] =	stream.linear.gather [hbm4b:s15+s5], $0x2800, $0x38;
	[tilespmem:$0x1DE00] =	vst v63  }
0xf7: {  	s11 =	sadd.s32 s2, s11  }
0xf8: {  	[tilespmem:s31], [sflag:$0x4] =	stream.linear.gather [hbm4b:s11+s5], $0x50, $0x38;
	[tilespmem:$0x1DE00] =	vst v63  }
0xf9: {  	_ =	swait.ge [sflag:s0], $0x2800  }
0xfa: {  	[sflag:s0] =	ssyncset.done $0x0  }
0xfb: {  	[sflag:s0] =	ssyncadd.s32 $0xFFFFD800  }
0xfc: {  	_ =	swait.ge [sflag:s0], $0x50  }
0xfd: {  	[sflag:s0] =	ssyncset.done $0x0  }
0xfe: {  	[sflag:s0] =	ssyncadd.s32 $0xFFFFFFB0  }
0xff: {  	[spmem:s4] =	stream.indirect.scatter.add.f32 [tilespmem:s5], [sflag:$0x5], $0x80, s22, s26, $0xb8;
	[tilespmem:$0x1DE00] =	vst v63  }
0x100: {  	s12 =	smov.u32 s14;
	_ =	swait.ge [sflag:s28], $0x2800  }
0x101: {  	s12 =	simm.s32 @p1 $0x0;
	s16 =	rddreg [dreg:$0x5]  }
0x102: {  	s11 =	sadd.s32 s12, s16  }
0x103: {  	[sflag:s28] =	ssyncset.done $0x0;
	s17 =	sshll.u32 s11, $0x4  }
0x104: {  	[sflag:s28] =	ssyncadd.s32 $0xFFFFD800;
	s11 =	sshrl.u32 s11, $0x3;
	s15 =	sadd.s32 s1, s17  }
0x105: {  	[tilespmem:s5], [sflag:$0x1] =	stream.linear.gather [hbm4b:s15+s5], $0x2800, $0x38;
	[tilespmem:$0x1DE00] =	vst v63  }
0x106: {  	s11 =	sadd.s32 s2, s11  }
0x107: {  	[tilespmem:s22], [sflag:$0x1] =	stream.linear.gather [hbm4b:s11+s5], $0x50, $0x38;
	[tilespmem:$0x1DE00] =	vst v63  }
0x108: {  	_ =	swait.ge [sflag:s3], $0x2800  }
0x109: {  	[sflag:s3] =	ssyncset.done $0x0  }
0x10a: {  	[sflag:s3] =	ssyncadd.s32 $0xFFFFD800  }
0x10b: {  	_ =	swait.ge [sflag:s3], $0x50  }
0x10c: {  	[sflag:s3] =	ssyncset.done $0x0  }
0x10d: {  	[sflag:s3] =	ssyncadd.s32 $0xFFFFFFB0  }
0x10e: {  	[spmem:s4] =	stream.indirect.scatter.add.f32 [tilespmem:s23], [sflag:$0x6], $0x80, s25, s26, $0xb8;
	[tilespmem:$0x1DE00] =	vst v63  }
0x10f: {  	_ =	swait.ge [sflag:s7], $0x2800  }
0x110: {  	p0 =	seq.s32 s14, $0x2580;
	[sflag:s7] =	ssyncset.done $0x0  }
0x111: {  	s11 =	simm.s32 @p0 $0x3;
	[sflag:s7] =	ssyncadd.s32 $0xFFFFD800  }
0x112: {  	_ =	swait.ge @p0 [sflag:s11], $0x2800  }
0x113: {  	[sflag:s11] =	ssyncset.done @p0 $0x0  }
0x114: {  	[sflag:s11] =	ssyncadd.s32 @p0 $0xFFFFD800  }
0x115: {  	_ =	swait.ge @p0 [sflag:s11], $0x50  }
0x116: {  	s14 =	simm.s32 @p0 $0x5000;
	s16 =	simm.s32 @p0 $0xA100;
	[sflag:s11] =	ssyncset.done @p0 $0x0  }
0x117: {  	s15 =	simm.s32 @p0 $0x7;
	[sflag:s11] =	ssyncadd.s32 @p0 $0xFFFFFFB0;
	s11 =	simm.s32 @p0 $0x50  }
0x118: {  	[spmem:s4] =	stream.indirect.scatter.add.f32 @p0 [tilespmem:s14], [sflag:$0x7], $0x80, s16, s11, $0xb8;
	[tilespmem:$0x1DE00] =	vst v63  }
0x119: {  	_ =	swait.ge @p0 [sflag:s15], $0x2800  }
0x11a: {  	s11 =	rddreg [dreg:$0x6]  }
0x11b: {  	[sflag:s15] =	ssyncset.done @p0 $0x0;
	s11 =	sadd.s32 @!p0 s12, s11  }
0x11c: {  	s14 =	simm.s32 @!p0 $0x2800;
	[sflag:s15] =	ssyncadd.s32 @p0 $0xFFFFD800;
	s16 =	sshll.u32 @!p0 s11, $0x4  }
0x11d: {  	s11 =	sshrl.u32 @!p0 s11, $0x3;
	s15 =	sadd.s32 @!p0 s1, s16;
	s16 =	simm.s32 @!p0 $0x0  }
0x11e: {  	[tilespmem:s14], [sflag:$0x2] =	stream.linear.gather @!p0 [hbm4b:s15+s16], $0x2800, $0x38;
	[tilespmem:$0x1DE00] =	vst v63  }
0x11f: {  	s11 =	sadd.s32 @!p0 s2, s11;
	s14 =	simm.s32 @!p0 $0xA080;
	s15 =	simm.s32 @!p0 $0x3  }
0x120: {  	[tilespmem:s14], [sflag:$0x2] =	stream.linear.gather @!p0 [hbm4b:s11+s16], $0x50, $0x38;
	[tilespmem:$0x1DE00] =	vst v63  }
0x121: {  	_ =	swait.ge @!p0 [sflag:s15], $0x2800  }
0x122: {  	[sflag:s15] =	ssyncset.done @!p0 $0x0  }
0x123: {  	[sflag:s15] =	ssyncadd.s32 @!p0 $0xFFFFD800  }
0x124: {  	_ =	swait.ge @!p0 [sflag:s15], $0x50  }
0x125: {  	s17 =	simm.s32 @!p0 $0xA100;
	s11 =	simm.s32 @!p0 $0x5000;
	[sflag:s15] =	ssyncset.done @!p0 $0x0  }
0x126: {  	s14 =	simm.s32 @!p0 $0x7;
	[sflag:s15] =	ssyncadd.s32 @!p0 $0xFFFFFFB0;
	s15 =	simm.s32 @!p0 $0x50  }
0x127: {  	[spmem:s4] =	stream.indirect.scatter.add.f32 @!p0 [tilespmem:s11], [sflag:$0x7], $0x80, s17, s15, $0xb8;
	[tilespmem:$0x1DE00] =	vst v63  }
0x128: {  	_ =	swait.ge @!p0 [sflag:s14], $0x2800  }
0x129: {  	s15 =	rddreg [dreg:$0x7]  }
0x12a: {  	s12 =	sadd.s32 @!p0 s12, s15  }
0x12b: {  	[sflag:s14] =	ssyncset.done @!p0 $0x0;
	s15 =	sshll.u32 @!p0 s12, $0x4  }
0x12c: {  	[sflag:s14] =	ssyncadd.s32 @!p0 $0xFFFFD800;
	s14 =	sadd.s32 @!p0 s1, s15  }
0x12d: {  	[tilespmem:s11], [sflag:$0x3] =	stream.linear.gather @!p0 [hbm4b:s14+s16], $0x2800, $0x38;
	[tilespmem:$0x1DE00] =	vst v63  }
0x12e: {  	s11 =	sshrl.u32 @!p0 s12, $0x3  }
0x12f: {  	s11 =	sadd.s32 @!p0 s2, s11  }
0x130: {  	[tilespmem:s17], [sflag:$0x3] =	stream.linear.gather @!p0 [hbm4b:s11+s16], $0x50, $0x38;
	[tilespmem:$0x1DE00] =	vst v63  }
0x131: {  	_ =	swait.ge [sflag:s8], $0x2800  }
0x132: {  	[sflag:s8] =	ssyncset.done $0x0  }
0x133: {  	[sflag:s8] =	ssyncadd.s32 $0xFFFFD800  }
0x134: {  	_ =	swait.ge [sflag:s8], $0x50  }
0x135: {  	[sflag:s8] =	ssyncset.done $0x0  }
0x136: {  	[sflag:s8] =	ssyncadd.s32 $0xFFFFFFB0  }
0x137: {  	[spmem:s4] =	stream.indirect.scatter.add.f32 [tilespmem:s29], [sflag:$0x8], $0x80, s31, s26, $0xb8;
	[tilespmem:$0x1DE00] =	vst v63  }
0x138: {  	_ =	swait.ge [sflag:s9], $0x2800  }
0x139: {  	[sflag:s9] =	ssyncset.done $0x0  }
0x13a: {  	[sflag:s9] =	ssyncadd.s32 $0xFFFFD800  }
0x13b: {  	_ =	swait.ge [sflag:s0], $0x2800  }
0x13c: {  	[sflag:s0] =	ssyncset.done $0x0  }
0x13d: {  	[sflag:s0] =	ssyncadd.s32 $0xFFFFD800  }
0x13e: {  	_ =	swait.ge [sflag:s0], $0x50  }
0x13f: {  	[sflag:s0] =	ssyncset.done $0x0  }
0x140: {  	[sflag:s0] =	ssyncadd.s32 $0xFFFFFFB0  }
0x141: {  	[spmem:s4] =	stream.indirect.scatter.add.f32 [tilespmem:s5], [sflag:$0x5], $0x80, s22, s26, $0xb8;
	[tilespmem:$0x1DE00] =	vst v63  }
0x142: {  	s18 =	stileid.u32;
	_ =	swait.ge [sflag:s28], $0x2800  }
0x143: {  	s19 =	sshrl.u32 s13, $0x3;
	s10 =	sadd.s32 $0x1, s10;
	[sflag:s28] =	ssyncset.done $0x0  }
0x144: {  	s11 =	sshll.u32 s18, $0x6;
	p0 =	sne.s32 s10, s21;
	[sflag:s28] =	ssyncadd.s32 $0xFFFFD800  }
.Ltmp2:
0x145: {  	s11 =	sor.u32 $0x1C09, s11;
	[bflag:$0x0] =	sbarrier.arrive $0xFFFF;
	(pc) =	sbr.rel @p0 .LBB2_1-.Ltmp2, $4  }
0x146: {  	[hbm:s24], [sflag:s11] =	dma.local [spmem:s19], $0x2780  }
0x147: {  	_ =	swait.ge [sflag:s30], $0x2780  }
0x148: {  	[sflag:s30] =	ssyncset.done $0x0  }
0x149: {  	[sflag:s30] =	ssyncadd.s32 $0xFFFFD880  }
0x14a: {  	_ =	sfence.sel $0x180000  }
0x14b: {  	[bflag:$0x0] =	sbarrier.arrive $0xFFFF  }
0x14c: {  	_ =	strace $0x90000047  }
0x14d: {  	s0 =	stileid.u32;
	[bflag:$0x2] =	sbarrier.arrive $0xFFFF  }
0x14e: {  	p0 =	sne.s32 s0, $0x0;
	s0 =	rddreg [dreg:$0x4]  }
0x14f: {  	s0 =	sadd.s32 @!p0 $0x100000, s0  }
0x150: {  	[sflag:s0] =	ssyncadd.tile.s32 @!p0 $0x1;
	_ =	shalt  }
.Lfunc_end2:
_tile_overlayer_lowered:
.L_overlay_start_2:
0x151: {  	(tag) =	ssettag $0x2  }
0x152: {  	s0 =	rddreg [dreg:$0x0];
	s2 =	stileid.u32  }
0x153: {  	s1 =	rddreg [dreg:$0x1];
	p0 =	sne.s32 s2, $0x0  }
0x154: {  	s3 =	rddreg [dreg:$0x2];
	[bflag:$0x3] =	sbarrier.arrive $0xFFFF;
	s2 =	simm.s32 @!p0 $0x1C09  }
0x155: {  	[timem:s3], [sflag:s2] =	dma.local @!p0 [hbm:s0], s1  }
0x156: {  	s0 =	simm.s32 @!p0 $0x9  }
0x157: {  	_ =	swait.ge @!p0 [sflag:s0], s1  }
0x158: {  	s1 =	ssub.s32 @!p0 $0x0, s1;
	[sflag:s0] =	ssyncset.done @!p0 $0x0  }
0x159: {  	[sflag:s0] =	ssyncadd.s32 @!p0 s1  }
0x15a: {  	[bflag:$0x3] =	sbarrier.arrive $0xFFFF  }
0x15b: {  	_ =	shalt  }

</sc_bundles>
